<compile_context>
chip_gen: v7x
topology: tpu7x:2x2x1
jax: 0.10.2.dev20260603
libtpu: 0.0.44.dev20260713+nightly
codegen_flags: <defaults>
</compile_context>

<pallas_src>
import functools

import jax
import jax.numpy as jnp
from jax import lax
from jax.experimental import pallas as pl
from jax.experimental.pallas import tpu as pltpu
from jax.experimental.pallas import tpu_sc as plsc

_CB = 128
_E = 32
_L = 8
_BATCH = 16384


_NC, _NS = 2, 16
_NW = _NC * _NS
_BPW = _BATCH // _NW
_BUF = 16
_NST = _BPW // _BUF
_KD = 32


def _sc_bcast_body(cbt_hbm, out, buf, sem):
    wid = lax.axis_index("s") * _NC + lax.axis_index("c")
    base = wid * _BPW * _E
    fills = [
        pltpu.async_copy(cbt_hbm, buf.at[pl.ds(j * _E, _E)], sem)
        for j in range(_BUF)
    ]
    for h in fills:
        h.wait()
    for g in range(_NST // _KD):
        handles = [
            pltpu.async_copy(
                buf,
                out.at[pl.ds(base + (g * _KD + t) * _BUF * _E, _BUF * _E)],
                sem)
            for t in range(_KD)
        ]
        for h in handles:
            h.wait()


@functools.cache
def _sc_bcast_kernel():
    return pl.kernel(
        _sc_bcast_body,
        out_type=jax.ShapeDtypeStruct((_BATCH * _E, _CB), jnp.float32),
        mesh=plsc.VectorSubcoreMesh(core_axis_name="c", subcore_axis_name="s"),
        scratch_types=[
            pltpu.VMEM((_BUF * _E, _CB), jnp.float32),
            pltpu.SemaphoreType.DMA,
        ],
    )



_BLK_B = 2048


def _quant_body(cb_ref, lat_ref, q1_ref, q2_ref):
    cb = cb_ref[...]
    cnorm = jnp.sum(cb * cb, axis=1, keepdims=True)
    for l in range(_L):
        z = lat_ref[l]
        mm = lax.dot_general(
            cb, z, (((1,), (0,)), ((), ())),
            preferred_element_type=jnp.float32)
        zn = jnp.sum(z * z, axis=0, keepdims=True)
        d = (zn + cnorm) - 2.0 * mm
        m = jnp.min(d, axis=0, keepdims=True)
        ii = lax.broadcasted_iota(jnp.int32, d.shape, 0)
        idx = jnp.min(jnp.where(d == m, ii, _CB), axis=0, keepdims=True)
        e = (ii == idx).astype(jnp.float32)
        q = lax.dot_general(cb, e, (((0,), (0,)), ((), ())),
                            preferred_element_type=jnp.float32)
        q1_ref[l] = q
        q2_ref[l] = q


def _tc_quantize(latent_t, codebook):
    out = jax.ShapeDtypeStruct((_L, _E, _BATCH), jnp.float32)
    blk = pl.BlockSpec((_L, _E, _BLK_B), lambda i: (0, 0, i))
    return pl.pallas_call(
        _quant_body,
        grid=(_BATCH // _BLK_B,),
        in_specs=[pl.BlockSpec((_CB, _E), lambda i: (0, 0)), blk],
        out_specs=[blk, blk],
        out_shape=[out, out],
    )(codebook, latent_t)




def kernel(latent, codebook):
    latent_t = jnp.transpose(latent, (1, 2, 0))
    q1, q2 = _tc_quantize(latent_t, codebook)
    policy = jnp.transpose(q1, (2, 0, 1))
    quantized = jnp.transpose(q2, (2, 0, 1))
    cbw = _sc_bcast_kernel()(codebook.T)
    codebook_weight = jnp.swapaxes(cbw.reshape(_BATCH, _E, _CB), 1, 2)
    return policy, quantized, codebook_weight

# --- scband reference (transcript-rebuilt; emitter-appended) ---
"""Pipeline reference for scband-tran-vector-quantizer-65292092834255 (READ-ONLY COPY).

The authoritative reference and input builder live on the scoring server;
editing this copy changes nothing except your own understanding.
"""

import jax, jax.numpy as jnp
import numpy as np

CODEBOOK_SIZE = 128
EMBED_DIM = 32
LATENT_SIZE = 8
BATCH = 16384


def setup_inputs(seed: int = 0) -> dict:
    key = jax.random.key(seed)
    k1, k2 = jax.random.split(key)
    latent = jax.random.normal(k1, (BATCH, LATENT_SIZE, EMBED_DIM), dtype=jnp.float32)
    codebook = jax.random.uniform(
        k2, (CODEBOOK_SIZE, EMBED_DIM),
        minval=-1.0 / CODEBOOK_SIZE, maxval=1.0 / CODEBOOK_SIZE,
        dtype=jnp.float32,
    )
    return {"latent": latent, "codebook": codebook}


def reference(latent, codebook):
    latent_flattened = latent.reshape(-1, EMBED_DIM)
    distances = (
        jnp.sum(latent_flattened ** 2, axis=-1, keepdims=True)
        + jnp.sum(codebook ** 2, axis=-1)
        - 2.0 * jnp.matmul(latent_flattened, codebook.T)
    )
    encoding_indices = jnp.argmin(distances, axis=-1)
    encodings = jax.nn.one_hot(encoding_indices, CODEBOOK_SIZE, dtype=jnp.float32)
    quantized_latent = jnp.matmul(encodings, codebook).reshape(latent.shape)
    policy_vq_latent = latent + jax.lax.stop_gradient(quantized_latent - latent)
    codebook_weight = jnp.broadcast_to(
        codebook[None, :, :], (latent.shape[0], CODEBOOK_SIZE, EMBED_DIM)
    )
    return (policy_vq_latent, quantized_latent, codebook_weight)

if __name__ == "__main__":
    import jax
    _d = setup_inputs()
    print(jax.jit(kernel)(*tuple(_d.values())))

</pallas_src>

<mosaic_0001>
#map = affine_map<(d0, d1) -> (0, 0)>
module attributes {stable_mosaic.version = 14 : i64} {
  func.func @_sc_bcast_body(%arg0: i32, %arg1: i32, %arg2: memref<32x128xf32, #tpu.memory_space<hbm>>, %arg3: memref<524288x128xf32, #tpu.memory_space<hbm>>, %arg4: memref<512x128xf32, #tpu.memory_space<vmem>>, %arg5: memref<!tpu.dma_semaphore, #tpu.memory_space<semaphore_mem>>) attributes {dimension_semantics = [#tpu.dimension_semantics<core_parallel>, #tpu.dimension_semantics<subcore_parallel>], iteration_bounds = array<i64: 2, 16>, scalar_prefetch = 0 : i64, scratch_operands = 2 : i64, tpu.core_type = #tpu.core_type<sc_vector_subcore>, window_params = [{transform_indices = #map}, {transform_indices = #map}]} {
    %mul3A = arith.constant 2 : i32
    %mul3A_0 = arith.muli %arg1, %mul3A : i32
    %add3A = arith.addi %mul3A_0, %arg0 : i32
    %mul3A_1 = arith.constant 512 : i32
    %mul3A_2 = arith.muli %add3A, %mul3A_1 : i32
    %mul3A_3 = arith.constant 32 : i32
    %mul3A_4 = arith.muli %mul3A_2, %mul3A_3 : i32
    %dma_start3A = arith.constant 0 : i32
    %dma_start3A_5 = arith.constant 0 : i32
    %dma_start3A_6 = tpu.memref_slice %arg4[%dma_start3A, %dma_start3A_5] : memref<512x128xf32, #tpu.memory_space<vmem>> -> memref<32x128xf32, #tpu.memory_space<vmem>>
    %dma_start3A_7 = arith.constant 0 : i32
    %dma_start3A_8 = arith.constant 0 : i32
    %dma_start3A_9 = tpu.memref_slice %arg4[%dma_start3A_7, %dma_start3A_8] : memref<512x128xf32, #tpu.memory_space<vmem>> -> memref<32x128xf32, #tpu.memory_space<vmem>>
    tpu.enqueue_dma source(%arg2 : memref<32x128xf32, #tpu.memory_space<hbm>>) target(%dma_start3A_9 : memref<32x128xf32, #tpu.memory_space<vmem>>) target_semaphore(%arg5 : memref<!tpu.dma_semaphore, #tpu.memory_space<semaphore_mem>>)
    %dma_start3A_10 = arith.constant 32 : i32
    %dma_start3A_11 = arith.constant 0 : i32
    %dma_start3A_12 = tpu.memref_slice %arg4[%dma_start3A_10, %dma_start3A_11] : memref<512x128xf32, #tpu.memory_space<vmem>> -> memref<32x128xf32, #tpu.memory_space<vmem>>
    %dma_start3A_13 = arith.constant 32 : i32
    %dma_start3A_14 = arith.constant 0 : i32
    %dma_start3A_15 = tpu.memref_slice %arg4[%dma_start3A_13, %dma_start3A_14] : memref<512x128xf32, #tpu.memory_space<vmem>> -> memref<32x128xf32, #tpu.memory_space<vmem>>
    tpu.enqueue_dma source(%arg2 : memref<32x128xf32, #tpu.memory_space<hbm>>) target(%dma_start3A_15 : memref<32x128xf32, #tpu.memory_space<vmem>>) target_semaphore(%arg5 : memref<!tpu.dma_semaphore, #tpu.memory_space<semaphore_mem>>)
    %dma_start3A_16 = arith.constant 64 : i32
    %dma_start3A_17 = arith.constant 0 : i32
    %dma_start3A_18 = tpu.memref_slice %arg4[%dma_start3A_16, %dma_start3A_17] : memref<512x128xf32, #tpu.memory_space<vmem>> -> memref<32x128xf32, #tpu.memory_space<vmem>>
    %dma_start3A_19 = arith.constant 64 : i32
    %dma_start3A_20 = arith.constant 0 : i32
    %dma_start3A_21 = tpu.memref_slice %arg4[%dma_start3A_19, %dma_start3A_20] : memref<512x128xf32, #tpu.memory_space<vmem>> -> memref<32x128xf32, #tpu.memory_space<vmem>>
    tpu.enqueue_dma source(%arg2 : memref<32x128xf32, #tpu.memory_space<hbm>>) target(%dma_start3A_21 : memref<32x128xf32, #tpu.memory_space<vmem>>) target_semaphore(%arg5 : memref<!tpu.dma_semaphore, #tpu.memory_space<semaphore_mem>>)
    %dma_start3A_22 = arith.constant 96 : i32
    %dma_start3A_23 = arith.constant 0 : i32
    %dma_start3A_24 = tpu.memref_slice %arg4[%dma_start3A_22, %dma_start3A_23] : memref<512x128xf32, #tpu.memory_space<vmem>> -> memref<32x128xf32, #tpu.memory_space<vmem>>
    %dma_start3A_25 = arith.constant 96 : i32
    %dma_start3A_26 = arith.constant 0 : i32
    %dma_start3A_27 = tpu.memref_slice %arg4[%dma_start3A_25, %dma_start3A_26] : memref<512x128xf32, #tpu.memory_space<vmem>> -> memref<32x128xf32, #tpu.memory_space<vmem>>
    tpu.enqueue_dma source(%arg2 : memref<32x128xf32, #tpu.memory_space<hbm>>) target(%dma_start3A_27 : memref<32x128xf32, #tpu.memory_space<vmem>>) target_semaphore(%arg5 : memref<!tpu.dma_semaphore, #tpu.memory_space<semaphore_mem>>)
    %dma_start3A_28 = arith.constant 128 : i32
    %dma_start3A_29 = arith.constant 0 : i32
    %dma_start3A_30 = tpu.memref_slice %arg4[%dma_start3A_28, %dma_start3A_29] : memref<512x128xf32, #tpu.memory_space<vmem>> -> memref<32x128xf32, #tpu.memory_space<vmem>>
    %dma_start3A_31 = arith.constant 128 : i32
    %dma_start3A_32 = arith.constant 0 : i32
    %dma_start3A_33 = tpu.memref_slice %arg4[%dma_start3A_31, %dma_start3A_32] : memref<512x128xf32, #tpu.memory_space<vmem>> -> memref<32x128xf32, #tpu.memory_space<vmem>>
    tpu.enqueue_dma source(%arg2 : memref<32x128xf32, #tpu.memory_space<hbm>>) target(%dma_start3A_33 : memref<32x128xf32, #tpu.memory_space<vmem>>) target_semaphore(%arg5 : memref<!tpu.dma_semaphore, #tpu.memory_space<semaphore_mem>>)
    %dma_start3A_34 = arith.constant 160 : i32
    %dma_start3A_35 = arith.constant 0 : i32
    %dma_start3A_36 = tpu.memref_slice %arg4[%dma_start3A_34, %dma_start3A_35] : memref<512x128xf32, #tpu.memory_space<vmem>> -> memref<32x128xf32, #tpu.memory_space<vmem>>
    %dma_start3A_37 = arith.constant 160 : i32
    %dma_start3A_38 = arith.constant 0 : i32
    %dma_start3A_39 = tpu.memref_slice %arg4[%dma_start3A_37, %dma_start3A_38] : memref<512x128xf32, #tpu.memory_space<vmem>> -> memref<32x128xf32, #tpu.memory_space<vmem>>
    tpu.enqueue_dma source(%arg2 : memref<32x128xf32, #tpu.memory_space<hbm>>) target(%dma_start3A_39 : memref<32x128xf32, #tpu.memory_space<vmem>>) target_semaphore(%arg5 : memref<!tpu.dma_semaphore, #tpu.memory_space<semaphore_mem>>)
    %dma_start3A_40 = arith.constant 192 : i32
    %dma_start3A_41 = arith.constant 0 : i32
    %dma_start3A_42 = tpu.memref_slice %arg4[%dma_start3A_40, %dma_start3A_41] : memref<512x128xf32, #tpu.memory_space<vmem>> -> memref<32x128xf32, #tpu.memory_space<vmem>>
    %dma_start3A_43 = arith.constant 192 : i32
    %dma_start3A_44 = arith.constant 0 : i32
    %dma_start3A_45 = tpu.memref_slice %arg4[%dma_start3A_43, %dma_start3A_44] : memref<512x128xf32, #tpu.memory_space<vmem>> -> memref<32x128xf32, #tpu.memory_space<vmem>>
    tpu.enqueue_dma source(%arg2 : memref<32x128xf32, #tpu.memory_space<hbm>>) target(%dma_start3A_45 : memref<32x128xf32, #tpu.memory_space<vmem>>) target_semaphore(%arg5 : memref<!tpu.dma_semaphore, #tpu.memory_space<semaphore_mem>>)
    %dma_start3A_46 = arith.constant 224 : i32
    %dma_start3A_47 = arith.constant 0 : i32
    %dma_start3A_48 = tpu.memref_slice %arg4[%dma_start3A_46, %dma_start3A_47] : memref<512x128xf32, #tpu.memory_space<vmem>> -> memref<32x128xf32, #tpu.memory_space<vmem>>
    %dma_start3A_49 = arith.constant 224 : i32
    %dma_start3A_50 = arith.constant 0 : i32
    %dma_start3A_51 = tpu.memref_slice %arg4[%dma_start3A_49, %dma_start3A_50] : memref<512x128xf32, #tpu.memory_space<vmem>> -> memref<32x128xf32, #tpu.memory_space<vmem>>
    tpu.enqueue_dma source(%arg2 : memref<32x128xf32, #tpu.memory_space<hbm>>) target(%dma_start3A_51 : memref<32x128xf32, #tpu.memory_space<vmem>>) target_semaphore(%arg5 : memref<!tpu.dma_semaphore, #tpu.memory_space<semaphore_mem>>)
    %dma_start3A_52 = arith.constant 256 : i32
    %dma_start3A_53 = arith.constant 0 : i32
    %dma_start3A_54 = tpu.memref_slice %arg4[%dma_start3A_52, %dma_start3A_53] : memref<512x128xf32, #tpu.memory_space<vmem>> -> memref<32x128xf32, #tpu.memory_space<vmem>>
    %dma_start3A_55 = arith.constant 256 : i32
    %dma_start3A_56 = arith.constant 0 : i32
    %dma_start3A_57 = tpu.memref_slice %arg4[%dma_start3A_55, %dma_start3A_56] : memref<512x128xf32, #tpu.memory_space<vmem>> -> memref<32x128xf32, #tpu.memory_space<vmem>>
    tpu.enqueue_dma source(%arg2 : memref<32x128xf32, #tpu.memory_space<hbm>>) target(%dma_start3A_57 : memref<32x128xf32, #tpu.memory_space<vmem>>) target_semaphore(%arg5 : memref<!tpu.dma_semaphore, #tpu.memory_space<semaphore_mem>>)
    %dma_start3A_58 = arith.constant 288 : i32
    %dma_start3A_59 = arith.constant 0 : i32
    %dma_start3A_60 = tpu.memref_slice %arg4[%dma_start3A_58, %dma_start3A_59] : memref<512x128xf32, #tpu.memory_space<vmem>> -> memref<32x128xf32, #tpu.memory_space<vmem>>
    %dma_start3A_61 = arith.constant 288 : i32
    %dma_start3A_62 = arith.constant 0 : i32
    %dma_start3A_63 = tpu.memref_slice %arg4[%dma_start3A_61, %dma_start3A_62] : memref<512x128xf32, #tpu.memory_space<vmem>> -> memref<32x128xf32, #tpu.memory_space<vmem>>
    tpu.enqueue_dma source(%arg2 : memref<32x128xf32, #tpu.memory_space<hbm>>) target(%dma_start3A_63 : memref<32x128xf32, #tpu.memory_space<vmem>>) target_semaphore(%arg5 : memref<!tpu.dma_semaphore, #tpu.memory_space<semaphore_mem>>)
    %dma_start3A_64 = arith.constant 320 : i32
    %dma_start3A_65 = arith.constant 0 : i32
    %dma_start3A_66 = tpu.memref_slice %arg4[%dma_start3A_64, %dma_start3A_65] : memref<512x128xf32, #tpu.memory_space<vmem>> -> memref<32x128xf32, #tpu.memory_space<vmem>>
    %dma_start3A_67 = arith.constant 320 : i32
    %dma_start3A_68 = arith.constant 0 : i32
    %dma_start3A_69 = tpu.memref_slice %arg4[%dma_start3A_67, %dma_start3A_68] : memref<512x128xf32, #tpu.memory_space<vmem>> -> memref<32x128xf32, #tpu.memory_space<vmem>>
    tpu.enqueue_dma source(%arg2 : memref<32x128xf32, #tpu.memory_space<hbm>>) target(%dma_start3A_69 : memref<32x128xf32, #tpu.memory_space<vmem>>) target_semaphore(%arg5 : memref<!tpu.dma_semaphore, #tpu.memory_space<semaphore_mem>>)
    %dma_start3A_70 = arith.constant 352 : i32
    %dma_start3A_71 = arith.constant 0 : i32
    %dma_start3A_72 = tpu.memref_slice %arg4[%dma_start3A_70, %dma_start3A_71] : memref<512x128xf32, #tpu.memory_space<vmem>> -> memref<32x128xf32, #tpu.memory_space<vmem>>
    %dma_start3A_73 = arith.constant 352 : i32
    %dma_start3A_74 = arith.constant 0 : i32
    %dma_start3A_75 = tpu.memref_slice %arg4[%dma_start3A_73, %dma_start3A_74] : memref<512x128xf32, #tpu.memory_space<vmem>> -> memref<32x128xf32, #tpu.memory_space<vmem>>
    tpu.enqueue_dma source(%arg2 : memref<32x128xf32, #tpu.memory_space<hbm>>) target(%dma_start3A_75 : memref<32x128xf32, #tpu.memory_space<vmem>>) target_semaphore(%arg5 : memref<!tpu.dma_semaphore, #tpu.memory_space<semaphore_mem>>)
    %dma_start3A_76 = arith.constant 384 : i32
    %dma_start3A_77 = arith.constant 0 : i32
    %dma_start3A_78 = tpu.memref_slice %arg4[%dma_start3A_76, %dma_start3A_77] : memref<512x128xf32, #tpu.memory_space<vmem>> -> memref<32x128xf32, #tpu.memory_space<vmem>>
    %dma_start3A_79 = arith.constant 384 : i32
    %dma_start3A_80 = arith.constant 0 : i32
    %dma_start3A_81 = tpu.memref_slice %arg4[%dma_start3A_79, %dma_start3A_80] : memref<512x128xf32, #tpu.memory_space<vmem>> -> memref<32x128xf32, #tpu.memory_space<vmem>>
    tpu.enqueue_dma source(%arg2 : memref<32x128xf32, #tpu.memory_space<hbm>>) target(%dma_start3A_81 : memref<32x128xf32, #tpu.memory_space<vmem>>) target_semaphore(%arg5 : memref<!tpu.dma_semaphore, #tpu.memory_space<semaphore_mem>>)
    %dma_start3A_82 = arith.constant 416 : i32
    %dma_start3A_83 = arith.constant 0 : i32
    %dma_start3A_84 = tpu.memref_slice %arg4[%dma_start3A_82, %dma_start3A_83] : memref<512x128xf32, #tpu.memory_space<vmem>> -> memref<32x128xf32, #tpu.memory_space<vmem>>
    %dma_start3A_85 = arith.constant 416 : i32
    %dma_start3A_86 = arith.constant 0 : i32
    %dma_start3A_87 = tpu.memref_slice %arg4[%dma_start3A_85, %dma_start3A_86] : memref<512x128xf32, #tpu.memory_space<vmem>> -> memref<32x128xf32, #tpu.memory_space<vmem>>
    tpu.enqueue_dma source(%arg2 : memref<32x128xf32, #tpu.memory_space<hbm>>) target(%dma_start3A_87 : memref<32x128xf32, #tpu.memory_space<vmem>>) target_semaphore(%arg5 : memref<!tpu.dma_semaphore, #tpu.memory_space<semaphore_mem>>)
    %dma_start3A_88 = arith.constant 448 : i32
    %dma_start3A_89 = arith.constant 0 : i32
    %dma_start3A_90 = tpu.memref_slice %arg4[%dma_start3A_88, %dma_start3A_89] : memref<512x128xf32, #tpu.memory_space<vmem>> -> memref<32x128xf32, #tpu.memory_space<vmem>>
    %dma_start3A_91 = arith.constant 448 : i32
    %dma_start3A_92 = arith.constant 0 : i32
    %dma_start3A_93 = tpu.memref_slice %arg4[%dma_start3A_91, %dma_start3A_92] : memref<512x128xf32, #tpu.memory_space<vmem>> -> memref<32x128xf32, #tpu.memory_space<vmem>>
    tpu.enqueue_dma source(%arg2 : memref<32x128xf32, #tpu.memory_space<hbm>>) target(%dma_start3A_93 : memref<32x128xf32, #tpu.memory_space<vmem>>) target_semaphore(%arg5 : memref<!tpu.dma_semaphore, #tpu.memory_space<semaphore_mem>>)
    %dma_start3A_94 = arith.constant 480 : i32
    %dma_start3A_95 = arith.constant 0 : i32
    %dma_start3A_96 = tpu.memref_slice %arg4[%dma_start3A_94, %dma_start3A_95] : memref<512x128xf32, #tpu.memory_space<vmem>> -> memref<32x128xf32, #tpu.memory_space<vmem>>
    %dma_start3A_97 = arith.constant 480 : i32
    %dma_start3A_98 = arith.constant 0 : i32
    %dma_start3A_99 = tpu.memref_slice %arg4[%dma_start3A_97, %dma_start3A_98] : memref<512x128xf32, #tpu.memory_space<vmem>> -> memref<32x128xf32, #tpu.memory_space<vmem>>
    tpu.enqueue_dma source(%arg2 : memref<32x128xf32, #tpu.memory_space<hbm>>) target(%dma_start3A_99 : memref<32x128xf32, #tpu.memory_space<vmem>>) target_semaphore(%arg5 : memref<!tpu.dma_semaphore, #tpu.memory_space<semaphore_mem>>)
    %dma_wait3A = arith.constant 0 : i32
    %dma_wait3A_100 = arith.constant 0 : i32
    %dma_wait3A_101 = tpu.memref_slice %arg4[%dma_wait3A, %dma_wait3A_100] : memref<512x128xf32, #tpu.memory_space<vmem>> -> memref<32x128xf32, #tpu.memory_space<vmem>>
    %dma_wait3A_102 = arith.constant 0 : i32
    %dma_wait3A_103 = arith.constant 0 : i32
    %dma_wait3A_104 = tpu.memref_slice %arg4[%dma_wait3A_102, %dma_wait3A_103] : memref<512x128xf32, #tpu.memory_space<vmem>> -> memref<32x128xf32, #tpu.memory_space<vmem>>
    tpu.wait_dma2 semaphore(%arg5 : memref<!tpu.dma_semaphore, #tpu.memory_space<semaphore_mem>>) src(%arg2 : memref<32x128xf32, #tpu.memory_space<hbm>>) dst(%dma_wait3A_104 : memref<32x128xf32, #tpu.memory_space<vmem>>)
    %dma_wait3A_105 = arith.constant 32 : i32
    %dma_wait3A_106 = arith.constant 0 : i32
    %dma_wait3A_107 = tpu.memref_slice %arg4[%dma_wait3A_105, %dma_wait3A_106] : memref<512x128xf32, #tpu.memory_space<vmem>> -> memref<32x128xf32, #tpu.memory_space<vmem>>
    %dma_wait3A_108 = arith.constant 32 : i32
    %dma_wait3A_109 = arith.constant 0 : i32
    %dma_wait3A_110 = tpu.memref_slice %arg4[%dma_wait3A_108, %dma_wait3A_109] : memref<512x128xf32, #tpu.memory_space<vmem>> -> memref<32x128xf32, #tpu.memory_space<vmem>>
    tpu.wait_dma2 semaphore(%arg5 : memref<!tpu.dma_semaphore, #tpu.memory_space<semaphore_mem>>) src(%arg2 : memref<32x128xf32, #tpu.memory_space<hbm>>) dst(%dma_wait3A_110 : memref<32x128xf32, #tpu.memory_space<vmem>>)
    %dma_wait3A_111 = arith.constant 64 : i32
    %dma_wait3A_112 = arith.constant 0 : i32
    %dma_wait3A_113 = tpu.memref_slice %arg4[%dma_wait3A_111, %dma_wait3A_112] : memref<512x128xf32, #tpu.memory_space<vmem>> -> memref<32x128xf32, #tpu.memory_space<vmem>>
    %dma_wait3A_114 = arith.constant 64 : i32
    %dma_wait3A_115 = arith.constant 0 : i32
    %dma_wait3A_116 = tpu.memref_slice %arg4[%dma_wait3A_114, %dma_wait3A_115] : memref<512x128xf32, #tpu.memory_space<vmem>> -> memref<32x128xf32, #tpu.memory_space<vmem>>
    tpu.wait_dma2 semaphore(%arg5 : memref<!tpu.dma_semaphore, #tpu.memory_space<semaphore_mem>>) src(%arg2 : memref<32x128xf32, #tpu.memory_space<hbm>>) dst(%dma_wait3A_116 : memref<32x128xf32, #tpu.memory_space<vmem>>)
    %dma_wait3A_117 = arith.constant 96 : i32
    %dma_wait3A_118 = arith.constant 0 : i32
    %dma_wait3A_119 = tpu.memref_slice %arg4[%dma_wait3A_117, %dma_wait3A_118] : memref<512x128xf32, #tpu.memory_space<vmem>> -> memref<32x128xf32, #tpu.memory_space<vmem>>
    %dma_wait3A_120 = arith.constant 96 : i32
    %dma_wait3A_121 = arith.constant 0 : i32
    %dma_wait3A_122 = tpu.memref_slice %arg4[%dma_wait3A_120, %dma_wait3A_121] : memref<512x128xf32, #tpu.memory_space<vmem>> -> memref<32x128xf32, #tpu.memory_space<vmem>>
    tpu.wait_dma2 semaphore(%arg5 : memref<!tpu.dma_semaphore, #tpu.memory_space<semaphore_mem>>) src(%arg2 : memref<32x128xf32, #tpu.memory_space<hbm>>) dst(%dma_wait3A_122 : memref<32x128xf32, #tpu.memory_space<vmem>>)
    %dma_wait3A_123 = arith.constant 128 : i32
    %dma_wait3A_124 = arith.constant 0 : i32
    %dma_wait3A_125 = tpu.memref_slice %arg4[%dma_wait3A_123, %dma_wait3A_124] : memref<512x128xf32, #tpu.memory_space<vmem>> -> memref<32x128xf32, #tpu.memory_space<vmem>>
    %dma_wait3A_126 = arith.constant 128 : i32
    %dma_wait3A_127 = arith.constant 0 : i32
    %dma_wait3A_128 = tpu.memref_slice %arg4[%dma_wait3A_126, %dma_wait3A_127] : memref<512x128xf32, #tpu.memory_space<vmem>> -> memref<32x128xf32, #tpu.memory_space<vmem>>
    tpu.wait_dma2 semaphore(%arg5 : memref<!tpu.dma_semaphore, #tpu.memory_space<semaphore_mem>>) src(%arg2 : memref<32x128xf32, #tpu.memory_space<hbm>>) dst(%dma_wait3A_128 : memref<32x128xf32, #tpu.memory_space<vmem>>)
    %dma_wait3A_129 = arith.constant 160 : i32
    %dma_wait3A_130 = arith.constant 0 : i32
    %dma_wait3A_131 = tpu.memref_slice %arg4[%dma_wait3A_129, %dma_wait3A_130] : memref<512x128xf32, #tpu.memory_space<vmem>> -> memref<32x128xf32, #tpu.memory_space<vmem>>
    %dma_wait3A_132 = arith.constant 160 : i32
    %dma_wait3A_133 = arith.constant 0 : i32
    %dma_wait3A_134 = tpu.memref_slice %arg4[%dma_wait3A_132, %dma_wait3A_133] : memref<512x128xf32, #tpu.memory_space<vmem>> -> memref<32x128xf32, #tpu.memory_space<vmem>>
    tpu.wait_dma2 semaphore(%arg5 : memref<!tpu.dma_semaphore, #tpu.memory_space<semaphore_mem>>) src(%arg2 : memref<32x128xf32, #tpu.memory_space<hbm>>) dst(%dma_wait3A_134 : memref<32x128xf32, #tpu.memory_space<vmem>>)
    %dma_wait3A_135 = arith.constant 192 : i32
    %dma_wait3A_136 = arith.constant 0 : i32
    %dma_wait3A_137 = tpu.memref_slice %arg4[%dma_wait3A_135, %dma_wait3A_136] : memref<512x128xf32, #tpu.memory_space<vmem>> -> memref<32x128xf32, #tpu.memory_space<vmem>>
    %dma_wait3A_138 = arith.constant 192 : i32
    %dma_wait3A_139 = arith.constant 0 : i32
    %dma_wait3A_140 = tpu.memref_slice %arg4[%dma_wait3A_138, %dma_wait3A_139] : memref<512x128xf32, #tpu.memory_space<vmem>> -> memref<32x128xf32, #tpu.memory_space<vmem>>
    tpu.wait_dma2 semaphore(%arg5 : memref<!tpu.dma_semaphore, #tpu.memory_space<semaphore_mem>>) src(%arg2 : memref<32x128xf32, #tpu.memory_space<hbm>>) dst(%dma_wait3A_140 : memref<32x128xf32, #tpu.memory_space<vmem>>)
    %dma_wait3A_141 = arith.constant 224 : i32
    %dma_wait3A_142 = arith.constant 0 : i32
    %dma_wait3A_143 = tpu.memref_slice %arg4[%dma_wait3A_141, %dma_wait3A_142] : memref<512x128xf32, #tpu.memory_space<vmem>> -> memref<32x128xf32, #tpu.memory_space<vmem>>
    %dma_wait3A_144 = arith.constant 224 : i32
    %dma_wait3A_145 = arith.constant 0 : i32
    %dma_wait3A_146 = tpu.memref_slice %arg4[%dma_wait3A_144, %dma_wait3A_145] : memref<512x128xf32, #tpu.memory_space<vmem>> -> memref<32x128xf32, #tpu.memory_space<vmem>>
    tpu.wait_dma2 semaphore(%arg5 : memref<!tpu.dma_semaphore, #tpu.memory_space<semaphore_mem>>) src(%arg2 : memref<32x128xf32, #tpu.memory_space<hbm>>) dst(%dma_wait3A_146 : memref<32x128xf32, #tpu.memory_space<vmem>>)
    %dma_wait3A_147 = arith.constant 256 : i32
    %dma_wait3A_148 = arith.constant 0 : i32
    %dma_wait3A_149 = tpu.memref_slice %arg4[%dma_wait3A_147, %dma_wait3A_148] : memref<512x128xf32, #tpu.memory_space<vmem>> -> memref<32x128xf32, #tpu.memory_space<vmem>>
    %dma_wait3A_150 = arith.constant 256 : i32
    %dma_wait3A_151 = arith.constant 0 : i32
    %dma_wait3A_152 = tpu.memref_slice %arg4[%dma_wait3A_150, %dma_wait3A_151] : memref<512x128xf32, #tpu.memory_space<vmem>> -> memref<32x128xf32, #tpu.memory_space<vmem>>
    tpu.wait_dma2 semaphore(%arg5 : memref<!tpu.dma_semaphore, #tpu.memory_space<semaphore_mem>>) src(%arg2 : memref<32x128xf32, #tpu.memory_space<hbm>>) dst(%dma_wait3A_152 : memref<32x128xf32, #tpu.memory_space<vmem>>)
    %dma_wait3A_153 = arith.constant 288 : i32
    %dma_wait3A_154 = arith.constant 0 : i32
    %dma_wait3A_155 = tpu.memref_slice %arg4[%dma_wait3A_153, %dma_wait3A_154] : memref<512x128xf32, #tpu.memory_space<vmem>> -> memref<32x128xf32, #tpu.memory_space<vmem>>
    %dma_wait3A_156 = arith.constant 288 : i32
    %dma_wait3A_157 = arith.constant 0 : i32
    %dma_wait3A_158 = tpu.memref_slice %arg4[%dma_wait3A_156, %dma_wait3A_157] : memref<512x128xf32, #tpu.memory_space<vmem>> -> memref<32x128xf32, #tpu.memory_space<vmem>>
    tpu.wait_dma2 semaphore(%arg5 : memref<!tpu.dma_semaphore, #tpu.memory_space<semaphore_mem>>) src(%arg2 : memref<32x128xf32, #tpu.memory_space<hbm>>) dst(%dma_wait3A_158 : memref<32x128xf32, #tpu.memory_space<vmem>>)
    %dma_wait3A_159 = arith.constant 320 : i32
    %dma_wait3A_160 = arith.constant 0 : i32
    %dma_wait3A_161 = tpu.memref_slice %arg4[%dma_wait3A_159, %dma_wait3A_160] : memref<512x128xf32, #tpu.memory_space<vmem>> -> memref<32x128xf32, #tpu.memory_space<vmem>>
    %dma_wait3A_162 = arith.constant 320 : i32
    %dma_wait3A_163 = arith.constant 0 : i32
    %dma_wait3A_164 = tpu.memref_slice %arg4[%dma_wait3A_162, %dma_wait3A_163] : memref<512x128xf32, #tpu.memory_space<vmem>> -> memref<32x128xf32, #tpu.memory_space<vmem>>
    tpu.wait_dma2 semaphore(%arg5 : memref<!tpu.dma_semaphore, #tpu.memory_space<semaphore_mem>>) src(%arg2 : memref<32x128xf32, #tpu.memory_space<hbm>>) dst(%dma_wait3A_164 : memref<32x128xf32, #tpu.memory_space<vmem>>)
    %dma_wait3A_165 = arith.constant 352 : i32
    %dma_wait3A_166 = arith.constant 0 : i32
    %dma_wait3A_167 = tpu.memref_slice %arg4[%dma_wait3A_165, %dma_wait3A_166] : memref<512x128xf32, #tpu.memory_space<vmem>> -> memref<32x128xf32, #tpu.memory_space<vmem>>
    %dma_wait3A_168 = arith.constant 352 : i32
    %dma_wait3A_169 = arith.constant 0 : i32
    %dma_wait3A_170 = tpu.memref_slice %arg4[%dma_wait3A_168, %dma_wait3A_169] : memref<512x128xf32, #tpu.memory_space<vmem>> -> memref<32x128xf32, #tpu.memory_space<vmem>>
    tpu.wait_dma2 semaphore(%arg5 : memref<!tpu.dma_semaphore, #tpu.memory_space<semaphore_mem>>) src(%arg2 : memref<32x128xf32, #tpu.memory_space<hbm>>) dst(%dma_wait3A_170 : memref<32x128xf32, #tpu.memory_space<vmem>>)
    %dma_wait3A_171 = arith.constant 384 : i32
    %dma_wait3A_172 = arith.constant 0 : i32
    %dma_wait3A_173 = tpu.memref_slice %arg4[%dma_wait3A_171, %dma_wait3A_172] : memref<512x128xf32, #tpu.memory_space<vmem>> -> memref<32x128xf32, #tpu.memory_space<vmem>>
    %dma_wait3A_174 = arith.constant 384 : i32
    %dma_wait3A_175 = arith.constant 0 : i32
    %dma_wait3A_176 = tpu.memref_slice %arg4[%dma_wait3A_174, %dma_wait3A_175] : memref<512x128xf32, #tpu.memory_space<vmem>> -> memref<32x128xf32, #tpu.memory_space<vmem>>
    tpu.wait_dma2 semaphore(%arg5 : memref<!tpu.dma_semaphore, #tpu.memory_space<semaphore_mem>>) src(%arg2 : memref<32x128xf32, #tpu.memory_space<hbm>>) dst(%dma_wait3A_176 : memref<32x128xf32, #tpu.memory_space<vmem>>)
    %dma_wait3A_177 = arith.constant 416 : i32
    %dma_wait3A_178 = arith.constant 0 : i32
    %dma_wait3A_179 = tpu.memref_slice %arg4[%dma_wait3A_177, %dma_wait3A_178] : memref<512x128xf32, #tpu.memory_space<vmem>> -> memref<32x128xf32, #tpu.memory_space<vmem>>
    %dma_wait3A_180 = arith.constant 416 : i32
    %dma_wait3A_181 = arith.constant 0 : i32
    %dma_wait3A_182 = tpu.memref_slice %arg4[%dma_wait3A_180, %dma_wait3A_181] : memref<512x128xf32, #tpu.memory_space<vmem>> -> memref<32x128xf32, #tpu.memory_space<vmem>>
    tpu.wait_dma2 semaphore(%arg5 : memref<!tpu.dma_semaphore, #tpu.memory_space<semaphore_mem>>) src(%arg2 : memref<32x128xf32, #tpu.memory_space<hbm>>) dst(%dma_wait3A_182 : memref<32x128xf32, #tpu.memory_space<vmem>>)
    %dma_wait3A_183 = arith.constant 448 : i32
    %dma_wait3A_184 = arith.constant 0 : i32
    %dma_wait3A_185 = tpu.memref_slice %arg4[%dma_wait3A_183, %dma_wait3A_184] : memref<512x128xf32, #tpu.memory_space<vmem>> -> memref<32x128xf32, #tpu.memory_space<vmem>>
    %dma_wait3A_186 = arith.constant 448 : i32
    %dma_wait3A_187 = arith.constant 0 : i32
    %dma_wait3A_188 = tpu.memref_slice %arg4[%dma_wait3A_186, %dma_wait3A_187] : memref<512x128xf32, #tpu.memory_space<vmem>> -> memref<32x128xf32, #tpu.memory_space<vmem>>
    tpu.wait_dma2 semaphore(%arg5 : memref<!tpu.dma_semaphore, #tpu.memory_space<semaphore_mem>>) src(%arg2 : memref<32x128xf32, #tpu.memory_space<hbm>>) dst(%dma_wait3A_188 : memref<32x128xf32, #tpu.memory_space<vmem>>)
    %dma_wait3A_189 = arith.constant 480 : i32
    %dma_wait3A_190 = arith.constant 0 : i32
    %dma_wait3A_191 = tpu.memref_slice %arg4[%dma_wait3A_189, %dma_wait3A_190] : memref<512x128xf32, #tpu.memory_space<vmem>> -> memref<32x128xf32, #tpu.memory_space<vmem>>
    %dma_wait3A_192 = arith.constant 480 : i32
    %dma_wait3A_193 = arith.constant 0 : i32
    %dma_wait3A_194 = tpu.memref_slice %arg4[%dma_wait3A_192, %dma_wait3A_193] : memref<512x128xf32, #tpu.memory_space<vmem>> -> memref<32x128xf32, #tpu.memory_space<vmem>>
    tpu.wait_dma2 semaphore(%arg5 : memref<!tpu.dma_semaphore, #tpu.memory_space<semaphore_mem>>) src(%arg2 : memref<32x128xf32, #tpu.memory_space<hbm>>) dst(%dma_wait3A_194 : memref<32x128xf32, #tpu.memory_space<vmem>>)
    %add3A_195 = arith.constant 0 : i32
    %add3A_196 = arith.addi %mul3A_4, %add3A_195 : i32
    %dma_start3A_197 = arith.constant 0 : i32
    %dma_start3A_198 = tpu.memref_slice %arg3[%add3A_196, %dma_start3A_197] : memref<524288x128xf32, #tpu.memory_space<hbm>> -> memref<512x128xf32, #tpu.memory_space<hbm>>
    %dma_start3A_199 = arith.constant 0 : i32
    %dma_start3A_200 = tpu.memref_slice %arg3[%add3A_196, %dma_start3A_199] : memref<524288x128xf32, #tpu.memory_space<hbm>> -> memref<512x128xf32, #tpu.memory_space<hbm>>
    tpu.enqueue_dma source(%arg4 : memref<512x128xf32, #tpu.memory_space<vmem>>) target(%dma_start3A_200 : memref<512x128xf32, #tpu.memory_space<hbm>>) target_semaphore(%arg5 : memref<!tpu.dma_semaphore, #tpu.memory_space<semaphore_mem>>)
    %add3A_201 = arith.constant 512 : i32
    %add3A_202 = arith.addi %mul3A_4, %add3A_201 : i32
    %dma_start3A_203 = arith.constant 0 : i32
    %dma_start3A_204 = tpu.memref_slice %arg3[%add3A_202, %dma_start3A_203] : memref<524288x128xf32, #tpu.memory_space<hbm>> -> memref<512x128xf32, #tpu.memory_space<hbm>>
    %dma_start3A_205 = arith.constant 0 : i32
    %dma_start3A_206 = tpu.memref_slice %arg3[%add3A_202, %dma_start3A_205] : memref<524288x128xf32, #tpu.memory_space<hbm>> -> memref<512x128xf32, #tpu.memory_space<hbm>>
    tpu.enqueue_dma source(%arg4 : memref<512x128xf32, #tpu.memory_space<vmem>>) target(%dma_start3A_206 : memref<512x128xf32, #tpu.memory_space<hbm>>) target_semaphore(%arg5 : memref<!tpu.dma_semaphore, #tpu.memory_space<semaphore_mem>>)
    %add3A_207 = arith.constant 1024 : i32
    %add3A_208 = arith.addi %mul3A_4, %add3A_207 : i32
    %dma_start3A_209 = arith.constant 0 : i32
    %dma_start3A_210 = tpu.memref_slice %arg3[%add3A_208, %dma_start3A_209] : memref<524288x128xf32, #tpu.memory_space<hbm>> -> memref<512x128xf32, #tpu.memory_space<hbm>>
    %dma_start3A_211 = arith.constant 0 : i32
    %dma_start3A_212 = tpu.memref_slice %arg3[%add3A_208, %dma_start3A_211] : memref<524288x128xf32, #tpu.memory_space<hbm>> -> memref<512x128xf32, #tpu.memory_space<hbm>>
    tpu.enqueue_dma source(%arg4 : memref<512x128xf32, #tpu.memory_space<vmem>>) target(%dma_start3A_212 : memref<512x128xf32, #tpu.memory_space<hbm>>) target_semaphore(%arg5 : memref<!tpu.dma_semaphore, #tpu.memory_space<semaphore_mem>>)
    %add3A_213 = arith.constant 1536 : i32
    %add3A_214 = arith.addi %mul3A_4, %add3A_213 : i32
    %dma_start3A_215 = arith.constant 0 : i32
    %dma_start3A_216 = tpu.memref_slice %arg3[%add3A_214, %dma_start3A_215] : memref<524288x128xf32, #tpu.memory_space<hbm>> -> memref<512x128xf32, #tpu.memory_space<hbm>>
    %dma_start3A_217 = arith.constant 0 : i32
    %dma_start3A_218 = tpu.memref_slice %arg3[%add3A_214, %dma_start3A_217] : memref<524288x128xf32, #tpu.memory_space<hbm>> -> memref<512x128xf32, #tpu.memory_space<hbm>>
    tpu.enqueue_dma source(%arg4 : memref<512x128xf32, #tpu.memory_space<vmem>>) target(%dma_start3A_218 : memref<512x128xf32, #tpu.memory_space<hbm>>) target_semaphore(%arg5 : memref<!tpu.dma_semaphore, #tpu.memory_space<semaphore_mem>>)
    %add3A_219 = arith.constant 2048 : i32
    %add3A_220 = arith.addi %mul3A_4, %add3A_219 : i32
    %dma_start3A_221 = arith.constant 0 : i32
    %dma_start3A_222 = tpu.memref_slice %arg3[%add3A_220, %dma_start3A_221] : memref<524288x128xf32, #tpu.memory_space<hbm>> -> memref<512x128xf32, #tpu.memory_space<hbm>>
    %dma_start3A_223 = arith.constant 0 : i32
    %dma_start3A_224 = tpu.memref_slice %arg3[%add3A_220, %dma_start3A_223] : memref<524288x128xf32, #tpu.memory_space<hbm>> -> memref<512x128xf32, #tpu.memory_space<hbm>>
    tpu.enqueue_dma source(%arg4 : memref<512x128xf32, #tpu.memory_space<vmem>>) target(%dma_start3A_224 : memref<512x128xf32, #tpu.memory_space<hbm>>) target_semaphore(%arg5 : memref<!tpu.dma_semaphore, #tpu.memory_space<semaphore_mem>>)
    %add3A_225 = arith.constant 2560 : i32
    %add3A_226 = arith.addi %mul3A_4, %add3A_225 : i32
    %dma_start3A_227 = arith.constant 0 : i32
    %dma_start3A_228 = tpu.memref_slice %arg3[%add3A_226, %dma_start3A_227] : memref<524288x128xf32, #tpu.memory_space<hbm>> -> memref<512x128xf32, #tpu.memory_space<hbm>>
    %dma_start3A_229 = arith.constant 0 : i32
    %dma_start3A_230 = tpu.memref_slice %arg3[%add3A_226, %dma_start3A_229] : memref<524288x128xf32, #tpu.memory_space<hbm>> -> memref<512x128xf32, #tpu.memory_space<hbm>>
    tpu.enqueue_dma source(%arg4 : memref<512x128xf32, #tpu.memory_space<vmem>>) target(%dma_start3A_230 : memref<512x128xf32, #tpu.memory_space<hbm>>) target_semaphore(%arg5 : memref<!tpu.dma_semaphore, #tpu.memory_space<semaphore_mem>>)
    %add3A_231 = arith.constant 3072 : i32
    %add3A_232 = arith.addi %mul3A_4, %add3A_231 : i32
    %dma_start3A_233 = arith.constant 0 : i32
    %dma_start3A_234 = tpu.memref_slice %arg3[%add3A_232, %dma_start3A_233] : memref<524288x128xf32, #tpu.memory_space<hbm>> -> memref<512x128xf32, #tpu.memory_space<hbm>>
    %dma_start3A_235 = arith.constant 0 : i32
    %dma_start3A_236 = tpu.memref_slice %arg3[%add3A_232, %dma_start3A_235] : memref<524288x128xf32, #tpu.memory_space<hbm>> -> memref<512x128xf32, #tpu.memory_space<hbm>>
    tpu.enqueue_dma source(%arg4 : memref<512x128xf32, #tpu.memory_space<vmem>>) target(%dma_start3A_236 : memref<512x128xf32, #tpu.memory_space<hbm>>) target_semaphore(%arg5 : memref<!tpu.dma_semaphore, #tpu.memory_space<semaphore_mem>>)
    %add3A_237 = arith.constant 3584 : i32
    %add3A_238 = arith.addi %mul3A_4, %add3A_237 : i32
    %dma_start3A_239 = arith.constant 0 : i32
    %dma_start3A_240 = tpu.memref_slice %arg3[%add3A_238, %dma_start3A_239] : memref<524288x128xf32, #tpu.memory_space<hbm>> -> memref<512x128xf32, #tpu.memory_space<hbm>>
    %dma_start3A_241 = arith.constant 0 : i32
    %dma_start3A_242 = tpu.memref_slice %arg3[%add3A_238, %dma_start3A_241] : memref<524288x128xf32, #tpu.memory_space<hbm>> -> memref<512x128xf32, #tpu.memory_space<hbm>>
    tpu.enqueue_dma source(%arg4 : memref<512x128xf32, #tpu.memory_space<vmem>>) target(%dma_start3A_242 : memref<512x128xf32, #tpu.memory_space<hbm>>) target_semaphore(%arg5 : memref<!tpu.dma_semaphore, #tpu.memory_space<semaphore_mem>>)
    %add3A_243 = arith.constant 4096 : i32
    %add3A_244 = arith.addi %mul3A_4, %add3A_243 : i32
    %dma_start3A_245 = arith.constant 0 : i32
    %dma_start3A_246 = tpu.memref_slice %arg3[%add3A_244, %dma_start3A_245] : memref<524288x128xf32, #tpu.memory_space<hbm>> -> memref<512x128xf32, #tpu.memory_space<hbm>>
    %dma_start3A_247 = arith.constant 0 : i32
    %dma_start3A_248 = tpu.memref_slice %arg3[%add3A_244, %dma_start3A_247] : memref<524288x128xf32, #tpu.memory_space<hbm>> -> memref<512x128xf32, #tpu.memory_space<hbm>>
    tpu.enqueue_dma source(%arg4 : memref<512x128xf32, #tpu.memory_space<vmem>>) target(%dma_start3A_248 : memref<512x128xf32, #tpu.memory_space<hbm>>) target_semaphore(%arg5 : memref<!tpu.dma_semaphore, #tpu.memory_space<semaphore_mem>>)
    %add3A_249 = arith.constant 4608 : i32
    %add3A_250 = arith.addi %mul3A_4, %add3A_249 : i32
    %dma_start3A_251 = arith.constant 0 : i32
    %dma_start3A_252 = tpu.memref_slice %arg3[%add3A_250, %dma_start3A_251] : memref<524288x128xf32, #tpu.memory_space<hbm>> -> memref<512x128xf32, #tpu.memory_space<hbm>>
    %dma_start3A_253 = arith.constant 0 : i32
    %dma_start3A_254 = tpu.memref_slice %arg3[%add3A_250, %dma_start3A_253] : memref<524288x128xf32, #tpu.memory_space<hbm>> -> memref<512x128xf32, #tpu.memory_space<hbm>>
    tpu.enqueue_dma source(%arg4 : memref<512x128xf32, #tpu.memory_space<vmem>>) target(%dma_start3A_254 : memref<512x128xf32, #tpu.memory_space<hbm>>) target_semaphore(%arg5 : memref<!tpu.dma_semaphore, #tpu.memory_space<semaphore_mem>>)
    %add3A_255 = arith.constant 5120 : i32
    %add3A_256 = arith.addi %mul3A_4, %add3A_255 : i32
    %dma_start3A_257 = arith.constant 0 : i32
    %dma_start3A_258 = tpu.memref_slice %arg3[%add3A_256, %dma_start3A_257] : memref<524288x128xf32, #tpu.memory_space<hbm>> -> memref<512x128xf32, #tpu.memory_space<hbm>>
    %dma_start3A_259 = arith.constant 0 : i32
    %dma_start3A_260 = tpu.memref_slice %arg3[%add3A_256, %dma_start3A_259] : memref<524288x128xf32, #tpu.memory_space<hbm>> -> memref<512x128xf32, #tpu.memory_space<hbm>>
    tpu.enqueue_dma source(%arg4 : memref<512x128xf32, #tpu.memory_space<vmem>>) target(%dma_start3A_260 : memref<512x128xf32, #tpu.memory_space<hbm>>) target_semaphore(%arg5 : memref<!tpu.dma_semaphore, #tpu.memory_space<semaphore_mem>>)
    %add3A_261 = arith.constant 5632 : i32
    %add3A_262 = arith.addi %mul3A_4, %add3A_261 : i32
    %dma_start3A_263 = arith.constant 0 : i32
    %dma_start3A_264 = tpu.memref_slice %arg3[%add3A_262, %dma_start3A_263] : memref<524288x128xf32, #tpu.memory_space<hbm>> -> memref<512x128xf32, #tpu.memory_space<hbm>>
    %dma_start3A_265 = arith.constant 0 : i32
    %dma_start3A_266 = tpu.memref_slice %arg3[%add3A_262, %dma_start3A_265] : memref<524288x128xf32, #tpu.memory_space<hbm>> -> memref<512x128xf32, #tpu.memory_space<hbm>>
    tpu.enqueue_dma source(%arg4 : memref<512x128xf32, #tpu.memory_space<vmem>>) target(%dma_start3A_266 : memref<512x128xf32, #tpu.memory_space<hbm>>) target_semaphore(%arg5 : memref<!tpu.dma_semaphore, #tpu.memory_space<semaphore_mem>>)
    %add3A_267 = arith.constant 6144 : i32
    %add3A_268 = arith.addi %mul3A_4, %add3A_267 : i32
    %dma_start3A_269 = arith.constant 0 : i32
    %dma_start3A_270 = tpu.memref_slice %arg3[%add3A_268, %dma_start3A_269] : memref<524288x128xf32, #tpu.memory_space<hbm>> -> memref<512x128xf32, #tpu.memory_space<hbm>>
    %dma_start3A_271 = arith.constant 0 : i32
    %dma_start3A_272 = tpu.memref_slice %arg3[%add3A_268, %dma_start3A_271] : memref<524288x128xf32, #tpu.memory_space<hbm>> -> memref<512x128xf32, #tpu.memory_space<hbm>>
    tpu.enqueue_dma source(%arg4 : memref<512x128xf32, #tpu.memory_space<vmem>>) target(%dma_start3A_272 : memref<512x128xf32, #tpu.memory_space<hbm>>) target_semaphore(%arg5 : memref<!tpu.dma_semaphore, #tpu.memory_space<semaphore_mem>>)
    %add3A_273 = arith.constant 6656 : i32
    %add3A_274 = arith.addi %mul3A_4, %add3A_273 : i32
    %dma_start3A_275 = arith.constant 0 : i32
    %dma_start3A_276 = tpu.memref_slice %arg3[%add3A_274, %dma_start3A_275] : memref<524288x128xf32, #tpu.memory_space<hbm>> -> memref<512x128xf32, #tpu.memory_space<hbm>>
    %dma_start3A_277 = arith.constant 0 : i32
    %dma_start3A_278 = tpu.memref_slice %arg3[%add3A_274, %dma_start3A_277] : memref<524288x128xf32, #tpu.memory_space<hbm>> -> memref<512x128xf32, #tpu.memory_space<hbm>>
    tpu.enqueue_dma source(%arg4 : memref<512x128xf32, #tpu.memory_space<vmem>>) target(%dma_start3A_278 : memref<512x128xf32, #tpu.memory_space<hbm>>) target_semaphore(%arg5 : memref<!tpu.dma_semaphore, #tpu.memory_space<semaphore_mem>>)
    %add3A_279 = arith.constant 7168 : i32
    %add3A_280 = arith.addi %mul3A_4, %add3A_279 : i32
    %dma_start3A_281 = arith.constant 0 : i32
    %dma_start3A_282 = tpu.memref_slice %arg3[%add3A_280, %dma_start3A_281] : memref<524288x128xf32, #tpu.memory_space<hbm>> -> memref<512x128xf32, #tpu.memory_space<hbm>>
    %dma_start3A_283 = arith.constant 0 : i32
    %dma_start3A_284 = tpu.memref_slice %arg3[%add3A_280, %dma_start3A_283] : memref<524288x128xf32, #tpu.memory_space<hbm>> -> memref<512x128xf32, #tpu.memory_space<hbm>>
    tpu.enqueue_dma source(%arg4 : memref<512x128xf32, #tpu.memory_space<vmem>>) target(%dma_start3A_284 : memref<512x128xf32, #tpu.memory_space<hbm>>) target_semaphore(%arg5 : memref<!tpu.dma_semaphore, #tpu.memory_space<semaphore_mem>>)
    %add3A_285 = arith.constant 7680 : i32
    %add3A_286 = arith.addi %mul3A_4, %add3A_285 : i32
    %dma_start3A_287 = arith.constant 0 : i32
    %dma_start3A_288 = tpu.memref_slice %arg3[%add3A_286, %dma_start3A_287] : memref<524288x128xf32, #tpu.memory_space<hbm>> -> memref<512x128xf32, #tpu.memory_space<hbm>>
    %dma_start3A_289 = arith.constant 0 : i32
    %dma_start3A_290 = tpu.memref_slice %arg3[%add3A_286, %dma_start3A_289] : memref<524288x128xf32, #tpu.memory_space<hbm>> -> memref<512x128xf32, #tpu.memory_space<hbm>>
    tpu.enqueue_dma source(%arg4 : memref<512x128xf32, #tpu.memory_space<vmem>>) target(%dma_start3A_290 : memref<512x128xf32, #tpu.memory_space<hbm>>) target_semaphore(%arg5 : memref<!tpu.dma_semaphore, #tpu.memory_space<semaphore_mem>>)
    %add3A_291 = arith.constant 8192 : i32
    %add3A_292 = arith.addi %mul3A_4, %add3A_291 : i32
    %dma_start3A_293 = arith.constant 0 : i32
    %dma_start3A_294 = tpu.memref_slice %arg3[%add3A_292, %dma_start3A_293] : memref<524288x128xf32, #tpu.memory_space<hbm>> -> memref<512x128xf32, #tpu.memory_space<hbm>>
    %dma_start3A_295 = arith.constant 0 : i32
    %dma_start3A_296 = tpu.memref_slice %arg3[%add3A_292, %dma_start3A_295] : memref<524288x128xf32, #tpu.memory_space<hbm>> -> memref<512x128xf32, #tpu.memory_space<hbm>>
    tpu.enqueue_dma source(%arg4 : memref<512x128xf32, #tpu.memory_space<vmem>>) target(%dma_start3A_296 : memref<512x128xf32, #tpu.memory_space<hbm>>) target_semaphore(%arg5 : memref<!tpu.dma_semaphore, #tpu.memory_space<semaphore_mem>>)
    %add3A_297 = arith.constant 8704 : i32
    %add3A_298 = arith.addi %mul3A_4, %add3A_297 : i32
    %dma_start3A_299 = arith.constant 0 : i32
    %dma_start3A_300 = tpu.memref_slice %arg3[%add3A_298, %dma_start3A_299] : memref<524288x128xf32, #tpu.memory_space<hbm>> -> memref<512x128xf32, #tpu.memory_space<hbm>>
    %dma_start3A_301 = arith.constant 0 : i32
    %dma_start3A_302 = tpu.memref_slice %arg3[%add3A_298, %dma_start3A_301] : memref<524288x128xf32, #tpu.memory_space<hbm>> -> memref<512x128xf32, #tpu.memory_space<hbm>>
    tpu.enqueue_dma source(%arg4 : memref<512x128xf32, #tpu.memory_space<vmem>>) target(%dma_start3A_302 : memref<512x128xf32, #tpu.memory_space<hbm>>) target_semaphore(%arg5 : memref<!tpu.dma_semaphore, #tpu.memory_space<semaphore_mem>>)
    %add3A_303 = arith.constant 9216 : i32
    %add3A_304 = arith.addi %mul3A_4, %add3A_303 : i32
    %dma_start3A_305 = arith.constant 0 : i32
    %dma_start3A_306 = tpu.memref_slice %arg3[%add3A_304, %dma_start3A_305] : memref<524288x128xf32, #tpu.memory_space<hbm>> -> memref<512x128xf32, #tpu.memory_space<hbm>>
    %dma_start3A_307 = arith.constant 0 : i32
    %dma_start3A_308 = tpu.memref_slice %arg3[%add3A_304, %dma_start3A_307] : memref<524288x128xf32, #tpu.memory_space<hbm>> -> memref<512x128xf32, #tpu.memory_space<hbm>>
    tpu.enqueue_dma source(%arg4 : memref<512x128xf32, #tpu.memory_space<vmem>>) target(%dma_start3A_308 : memref<512x128xf32, #tpu.memory_space<hbm>>) target_semaphore(%arg5 : memref<!tpu.dma_semaphore, #tpu.memory_space<semaphore_mem>>)
    %add3A_309 = arith.constant 9728 : i32
    %add3A_310 = arith.addi %mul3A_4, %add3A_309 : i32
    %dma_start3A_311 = arith.constant 0 : i32
    %dma_start3A_312 = tpu.memref_slice %arg3[%add3A_310, %dma_start3A_311] : memref<524288x128xf32, #tpu.memory_space<hbm>> -> memref<512x128xf32, #tpu.memory_space<hbm>>
    %dma_start3A_313 = arith.constant 0 : i32
    %dma_start3A_314 = tpu.memref_slice %arg3[%add3A_310, %dma_start3A_313] : memref<524288x128xf32, #tpu.memory_space<hbm>> -> memref<512x128xf32, #tpu.memory_space<hbm>>
    tpu.enqueue_dma source(%arg4 : memref<512x128xf32, #tpu.memory_space<vmem>>) target(%dma_start3A_314 : memref<512x128xf32, #tpu.memory_space<hbm>>) target_semaphore(%arg5 : memref<!tpu.dma_semaphore, #tpu.memory_space<semaphore_mem>>)
    %add3A_315 = arith.constant 10240 : i32
    %add3A_316 = arith.addi %mul3A_4, %add3A_315 : i32
    %dma_start3A_317 = arith.constant 0 : i32
    %dma_start3A_318 = tpu.memref_slice %arg3[%add3A_316, %dma_start3A_317] : memref<524288x128xf32, #tpu.memory_space<hbm>> -> memref<512x128xf32, #tpu.memory_space<hbm>>
    %dma_start3A_319 = arith.constant 0 : i32
    %dma_start3A_320 = tpu.memref_slice %arg3[%add3A_316, %dma_start3A_319] : memref<524288x128xf32, #tpu.memory_space<hbm>> -> memref<512x128xf32, #tpu.memory_space<hbm>>
    tpu.enqueue_dma source(%arg4 : memref<512x128xf32, #tpu.memory_space<vmem>>) target(%dma_start3A_320 : memref<512x128xf32, #tpu.memory_space<hbm>>) target_semaphore(%arg5 : memref<!tpu.dma_semaphore, #tpu.memory_space<semaphore_mem>>)
    %add3A_321 = arith.constant 10752 : i32
    %add3A_322 = arith.addi %mul3A_4, %add3A_321 : i32
    %dma_start3A_323 = arith.constant 0 : i32
    %dma_start3A_324 = tpu.memref_slice %arg3[%add3A_322, %dma_start3A_323] : memref<524288x128xf32, #tpu.memory_space<hbm>> -> memref<512x128xf32, #tpu.memory_space<hbm>>
    %dma_start3A_325 = arith.constant 0 : i32
    %dma_start3A_326 = tpu.memref_slice %arg3[%add3A_322, %dma_start3A_325] : memref<524288x128xf32, #tpu.memory_space<hbm>> -> memref<512x128xf32, #tpu.memory_space<hbm>>
    tpu.enqueue_dma source(%arg4 : memref<512x128xf32, #tpu.memory_space<vmem>>) target(%dma_start3A_326 : memref<512x128xf32, #tpu.memory_space<hbm>>) target_semaphore(%arg5 : memref<!tpu.dma_semaphore, #tpu.memory_space<semaphore_mem>>)
    %add3A_327 = arith.constant 11264 : i32
    %add3A_328 = arith.addi %mul3A_4, %add3A_327 : i32
    %dma_start3A_329 = arith.constant 0 : i32
    %dma_start3A_330 = tpu.memref_slice %arg3[%add3A_328, %dma_start3A_329] : memref<524288x128xf32, #tpu.memory_space<hbm>> -> memref<512x128xf32, #tpu.memory_space<hbm>>
    %dma_start3A_331 = arith.constant 0 : i32
    %dma_start3A_332 = tpu.memref_slice %arg3[%add3A_328, %dma_start3A_331] : memref<524288x128xf32, #tpu.memory_space<hbm>> -> memref<512x128xf32, #tpu.memory_space<hbm>>
    tpu.enqueue_dma source(%arg4 : memref<512x128xf32, #tpu.memory_space<vmem>>) target(%dma_start3A_332 : memref<512x128xf32, #tpu.memory_space<hbm>>) target_semaphore(%arg5 : memref<!tpu.dma_semaphore, #tpu.memory_space<semaphore_mem>>)
    %add3A_333 = arith.constant 11776 : i32
    %add3A_334 = arith.addi %mul3A_4, %add3A_333 : i32
    %dma_start3A_335 = arith.constant 0 : i32
    %dma_start3A_336 = tpu.memref_slice %arg3[%add3A_334, %dma_start3A_335] : memref<524288x128xf32, #tpu.memory_space<hbm>> -> memref<512x128xf32, #tpu.memory_space<hbm>>
    %dma_start3A_337 = arith.constant 0 : i32
    %dma_start3A_338 = tpu.memref_slice %arg3[%add3A_334, %dma_start3A_337] : memref<524288x128xf32, #tpu.memory_space<hbm>> -> memref<512x128xf32, #tpu.memory_space<hbm>>
    tpu.enqueue_dma source(%arg4 : memref<512x128xf32, #tpu.memory_space<vmem>>) target(%dma_start3A_338 : memref<512x128xf32, #tpu.memory_space<hbm>>) target_semaphore(%arg5 : memref<!tpu.dma_semaphore, #tpu.memory_space<semaphore_mem>>)
    %add3A_339 = arith.constant 12288 : i32
    %add3A_340 = arith.addi %mul3A_4, %add3A_339 : i32
    %dma_start3A_341 = arith.constant 0 : i32
    %dma_start3A_342 = tpu.memref_slice %arg3[%add3A_340, %dma_start3A_341] : memref<524288x128xf32, #tpu.memory_space<hbm>> -> memref<512x128xf32, #tpu.memory_space<hbm>>
    %dma_start3A_343 = arith.constant 0 : i32
    %dma_start3A_344 = tpu.memref_slice %arg3[%add3A_340, %dma_start3A_343] : memref<524288x128xf32, #tpu.memory_space<hbm>> -> memref<512x128xf32, #tpu.memory_space<hbm>>
    tpu.enqueue_dma source(%arg4 : memref<512x128xf32, #tpu.memory_space<vmem>>) target(%dma_start3A_344 : memref<512x128xf32, #tpu.memory_space<hbm>>) target_semaphore(%arg5 : memref<!tpu.dma_semaphore, #tpu.memory_space<semaphore_mem>>)
    %add3A_345 = arith.constant 12800 : i32
    %add3A_346 = arith.addi %mul3A_4, %add3A_345 : i32
    %dma_start3A_347 = arith.constant 0 : i32
    %dma_start3A_348 = tpu.memref_slice %arg3[%add3A_346, %dma_start3A_347] : memref<524288x128xf32, #tpu.memory_space<hbm>> -> memref<512x128xf32, #tpu.memory_space<hbm>>
    %dma_start3A_349 = arith.constant 0 : i32
    %dma_start3A_350 = tpu.memref_slice %arg3[%add3A_346, %dma_start3A_349] : memref<524288x128xf32, #tpu.memory_space<hbm>> -> memref<512x128xf32, #tpu.memory_space<hbm>>
    tpu.enqueue_dma source(%arg4 : memref<512x128xf32, #tpu.memory_space<vmem>>) target(%dma_start3A_350 : memref<512x128xf32, #tpu.memory_space<hbm>>) target_semaphore(%arg5 : memref<!tpu.dma_semaphore, #tpu.memory_space<semaphore_mem>>)
    %add3A_351 = arith.constant 13312 : i32
    %add3A_352 = arith.addi %mul3A_4, %add3A_351 : i32
    %dma_start3A_353 = arith.constant 0 : i32
    %dma_start3A_354 = tpu.memref_slice %arg3[%add3A_352, %dma_start3A_353] : memref<524288x128xf32, #tpu.memory_space<hbm>> -> memref<512x128xf32, #tpu.memory_space<hbm>>
    %dma_start3A_355 = arith.constant 0 : i32
    %dma_start3A_356 = tpu.memref_slice %arg3[%add3A_352, %dma_start3A_355] : memref<524288x128xf32, #tpu.memory_space<hbm>> -> memref<512x128xf32, #tpu.memory_space<hbm>>
    tpu.enqueue_dma source(%arg4 : memref<512x128xf32, #tpu.memory_space<vmem>>) target(%dma_start3A_356 : memref<512x128xf32, #tpu.memory_space<hbm>>) target_semaphore(%arg5 : memref<!tpu.dma_semaphore, #tpu.memory_space<semaphore_mem>>)
    %add3A_357 = arith.constant 13824 : i32
    %add3A_358 = arith.addi %mul3A_4, %add3A_357 : i32
    %dma_start3A_359 = arith.constant 0 : i32
    %dma_start3A_360 = tpu.memref_slice %arg3[%add3A_358, %dma_start3A_359] : memref<524288x128xf32, #tpu.memory_space<hbm>> -> memref<512x128xf32, #tpu.memory_space<hbm>>
    %dma_start3A_361 = arith.constant 0 : i32
    %dma_start3A_362 = tpu.memref_slice %arg3[%add3A_358, %dma_start3A_361] : memref<524288x128xf32, #tpu.memory_space<hbm>> -> memref<512x128xf32, #tpu.memory_space<hbm>>
    tpu.enqueue_dma source(%arg4 : memref<512x128xf32, #tpu.memory_space<vmem>>) target(%dma_start3A_362 : memref<512x128xf32, #tpu.memory_space<hbm>>) target_semaphore(%arg5 : memref<!tpu.dma_semaphore, #tpu.memory_space<semaphore_mem>>)
    %add3A_363 = arith.constant 14336 : i32
    %add3A_364 = arith.addi %mul3A_4, %add3A_363 : i32
    %dma_start3A_365 = arith.constant 0 : i32
    %dma_start3A_366 = tpu.memref_slice %arg3[%add3A_364, %dma_start3A_365] : memref<524288x128xf32, #tpu.memory_space<hbm>> -> memref<512x128xf32, #tpu.memory_space<hbm>>
    %dma_start3A_367 = arith.constant 0 : i32
    %dma_start3A_368 = tpu.memref_slice %arg3[%add3A_364, %dma_start3A_367] : memref<524288x128xf32, #tpu.memory_space<hbm>> -> memref<512x128xf32, #tpu.memory_space<hbm>>
    tpu.enqueue_dma source(%arg4 : memref<512x128xf32, #tpu.memory_space<vmem>>) target(%dma_start3A_368 : memref<512x128xf32, #tpu.memory_space<hbm>>) target_semaphore(%arg5 : memref<!tpu.dma_semaphore, #tpu.memory_space<semaphore_mem>>)
    %add3A_369 = arith.constant 14848 : i32
    %add3A_370 = arith.addi %mul3A_4, %add3A_369 : i32
    %dma_start3A_371 = arith.constant 0 : i32
    %dma_start3A_372 = tpu.memref_slice %arg3[%add3A_370, %dma_start3A_371] : memref<524288x128xf32, #tpu.memory_space<hbm>> -> memref<512x128xf32, #tpu.memory_space<hbm>>
    %dma_start3A_373 = arith.constant 0 : i32
    %dma_start3A_374 = tpu.memref_slice %arg3[%add3A_370, %dma_start3A_373] : memref<524288x128xf32, #tpu.memory_space<hbm>> -> memref<512x128xf32, #tpu.memory_space<hbm>>
    tpu.enqueue_dma source(%arg4 : memref<512x128xf32, #tpu.memory_space<vmem>>) target(%dma_start3A_374 : memref<512x128xf32, #tpu.memory_space<hbm>>) target_semaphore(%arg5 : memref<!tpu.dma_semaphore, #tpu.memory_space<semaphore_mem>>)
    %add3A_375 = arith.constant 15360 : i32
    %add3A_376 = arith.addi %mul3A_4, %add3A_375 : i32
    %dma_start3A_377 = arith.constant 0 : i32
    %dma_start3A_378 = tpu.memref_slice %arg3[%add3A_376, %dma_start3A_377] : memref<524288x128xf32, #tpu.memory_space<hbm>> -> memref<512x128xf32, #tpu.memory_space<hbm>>
    %dma_start3A_379 = arith.constant 0 : i32
    %dma_start3A_380 = tpu.memref_slice %arg3[%add3A_376, %dma_start3A_379] : memref<524288x128xf32, #tpu.memory_space<hbm>> -> memref<512x128xf32, #tpu.memory_space<hbm>>
    tpu.enqueue_dma source(%arg4 : memref<512x128xf32, #tpu.memory_space<vmem>>) target(%dma_start3A_380 : memref<512x128xf32, #tpu.memory_space<hbm>>) target_semaphore(%arg5 : memref<!tpu.dma_semaphore, #tpu.memory_space<semaphore_mem>>)
    %add3A_381 = arith.constant 15872 : i32
    %add3A_382 = arith.addi %mul3A_4, %add3A_381 : i32
    %dma_start3A_383 = arith.constant 0 : i32
    %dma_start3A_384 = tpu.memref_slice %arg3[%add3A_382, %dma_start3A_383] : memref<524288x128xf32, #tpu.memory_space<hbm>> -> memref<512x128xf32, #tpu.memory_space<hbm>>
    %dma_start3A_385 = arith.constant 0 : i32
    %dma_start3A_386 = tpu.memref_slice %arg3[%add3A_382, %dma_start3A_385] : memref<524288x128xf32, #tpu.memory_space<hbm>> -> memref<512x128xf32, #tpu.memory_space<hbm>>
    tpu.enqueue_dma source(%arg4 : memref<512x128xf32, #tpu.memory_space<vmem>>) target(%dma_start3A_386 : memref<512x128xf32, #tpu.memory_space<hbm>>) target_semaphore(%arg5 : memref<!tpu.dma_semaphore, #tpu.memory_space<semaphore_mem>>)
    %dma_wait3A_387 = arith.constant 0 : i32
    %dma_wait3A_388 = tpu.memref_slice %arg3[%add3A_196, %dma_wait3A_387] : memref<524288x128xf32, #tpu.memory_space<hbm>> -> memref<512x128xf32, #tpu.memory_space<hbm>>
    %dma_wait3A_389 = arith.constant 0 : i32
    %dma_wait3A_390 = tpu.memref_slice %arg3[%add3A_196, %dma_wait3A_389] : memref<524288x128xf32, #tpu.memory_space<hbm>> -> memref<512x128xf32, #tpu.memory_space<hbm>>
    tpu.wait_dma2 semaphore(%arg5 : memref<!tpu.dma_semaphore, #tpu.memory_space<semaphore_mem>>) src(%arg4 : memref<512x128xf32, #tpu.memory_space<vmem>>) dst(%dma_wait3A_390 : memref<512x128xf32, #tpu.memory_space<hbm>>)
    %dma_wait3A_391 = arith.constant 0 : i32
    %dma_wait3A_392 = tpu.memref_slice %arg3[%add3A_202, %dma_wait3A_391] : memref<524288x128xf32, #tpu.memory_space<hbm>> -> memref<512x128xf32, #tpu.memory_space<hbm>>
    %dma_wait3A_393 = arith.constant 0 : i32
    %dma_wait3A_394 = tpu.memref_slice %arg3[%add3A_202, %dma_wait3A_393] : memref<524288x128xf32, #tpu.memory_space<hbm>> -> memref<512x128xf32, #tpu.memory_space<hbm>>
    tpu.wait_dma2 semaphore(%arg5 : memref<!tpu.dma_semaphore, #tpu.memory_space<semaphore_mem>>) src(%arg4 : memref<512x128xf32, #tpu.memory_space<vmem>>) dst(%dma_wait3A_394 : memref<512x128xf32, #tpu.memory_space<hbm>>)
    %dma_wait3A_395 = arith.constant 0 : i32
    %dma_wait3A_396 = tpu.memref_slice %arg3[%add3A_208, %dma_wait3A_395] : memref<524288x128xf32, #tpu.memory_space<hbm>> -> memref<512x128xf32, #tpu.memory_space<hbm>>
    %dma_wait3A_397 = arith.constant 0 : i32
    %dma_wait3A_398 = tpu.memref_slice %arg3[%add3A_208, %dma_wait3A_397] : memref<524288x128xf32, #tpu.memory_space<hbm>> -> memref<512x128xf32, #tpu.memory_space<hbm>>
    tpu.wait_dma2 semaphore(%arg5 : memref<!tpu.dma_semaphore, #tpu.memory_space<semaphore_mem>>) src(%arg4 : memref<512x128xf32, #tpu.memory_space<vmem>>) dst(%dma_wait3A_398 : memref<512x128xf32, #tpu.memory_space<hbm>>)
    %dma_wait3A_399 = arith.constant 0 : i32
    %dma_wait3A_400 = tpu.memref_slice %arg3[%add3A_214, %dma_wait3A_399] : memref<524288x128xf32, #tpu.memory_space<hbm>> -> memref<512x128xf32, #tpu.memory_space<hbm>>
    %dma_wait3A_401 = arith.constant 0 : i32
    %dma_wait3A_402 = tpu.memref_slice %arg3[%add3A_214, %dma_wait3A_401] : memref<524288x128xf32, #tpu.memory_space<hbm>> -> memref<512x128xf32, #tpu.memory_space<hbm>>
    tpu.wait_dma2 semaphore(%arg5 : memref<!tpu.dma_semaphore, #tpu.memory_space<semaphore_mem>>) src(%arg4 : memref<512x128xf32, #tpu.memory_space<vmem>>) dst(%dma_wait3A_402 : memref<512x128xf32, #tpu.memory_space<hbm>>)
    %dma_wait3A_403 = arith.constant 0 : i32
    %dma_wait3A_404 = tpu.memref_slice %arg3[%add3A_220, %dma_wait3A_403] : memref<524288x128xf32, #tpu.memory_space<hbm>> -> memref<512x128xf32, #tpu.memory_space<hbm>>
    %dma_wait3A_405 = arith.constant 0 : i32
    %dma_wait3A_406 = tpu.memref_slice %arg3[%add3A_220, %dma_wait3A_405] : memref<524288x128xf32, #tpu.memory_space<hbm>> -> memref<512x128xf32, #tpu.memory_space<hbm>>
    tpu.wait_dma2 semaphore(%arg5 : memref<!tpu.dma_semaphore, #tpu.memory_space<semaphore_mem>>) src(%arg4 : memref<512x128xf32, #tpu.memory_space<vmem>>) dst(%dma_wait3A_406 : memref<512x128xf32, #tpu.memory_space<hbm>>)
    %dma_wait3A_407 = arith.constant 0 : i32
    %dma_wait3A_408 = tpu.memref_slice %arg3[%add3A_226, %dma_wait3A_407] : memref<524288x128xf32, #tpu.memory_space<hbm>> -> memref<512x128xf32, #tpu.memory_space<hbm>>
    %dma_wait3A_409 = arith.constant 0 : i32
    %dma_wait3A_410 = tpu.memref_slice %arg3[%add3A_226, %dma_wait3A_409] : memref<524288x128xf32, #tpu.memory_space<hbm>> -> memref<512x128xf32, #tpu.memory_space<hbm>>
    tpu.wait_dma2 semaphore(%arg5 : memref<!tpu.dma_semaphore, #tpu.memory_space<semaphore_mem>>) src(%arg4 : memref<512x128xf32, #tpu.memory_space<vmem>>) dst(%dma_wait3A_410 : memref<512x128xf32, #tpu.memory_space<hbm>>)
    %dma_wait3A_411 = arith.constant 0 : i32
    %dma_wait3A_412 = tpu.memref_slice %arg3[%add3A_232, %dma_wait3A_411] : memref<524288x128xf32, #tpu.memory_space<hbm>> -> memref<512x128xf32, #tpu.memory_space<hbm>>
    %dma_wait3A_413 = arith.constant 0 : i32
    %dma_wait3A_414 = tpu.memref_slice %arg3[%add3A_232, %dma_wait3A_413] : memref<524288x128xf32, #tpu.memory_space<hbm>> -> memref<512x128xf32, #tpu.memory_space<hbm>>
    tpu.wait_dma2 semaphore(%arg5 : memref<!tpu.dma_semaphore, #tpu.memory_space<semaphore_mem>>) src(%arg4 : memref<512x128xf32, #tpu.memory_space<vmem>>) dst(%dma_wait3A_414 : memref<512x128xf32, #tpu.memory_space<hbm>>)
    %dma_wait3A_415 = arith.constant 0 : i32
    %dma_wait3A_416 = tpu.memref_slice %arg3[%add3A_238, %dma_wait3A_415] : memref<524288x128xf32, #tpu.memory_space<hbm>> -> memref<512x128xf32, #tpu.memory_space<hbm>>
    %dma_wait3A_417 = arith.constant 0 : i32
    %dma_wait3A_418 = tpu.memref_slice %arg3[%add3A_238, %dma_wait3A_417] : memref<524288x128xf32, #tpu.memory_space<hbm>> -> memref<512x128xf32, #tpu.memory_space<hbm>>
    tpu.wait_dma2 semaphore(%arg5 : memref<!tpu.dma_semaphore, #tpu.memory_space<semaphore_mem>>) src(%arg4 : memref<512x128xf32, #tpu.memory_space<vmem>>) dst(%dma_wait3A_418 : memref<512x128xf32, #tpu.memory_space<hbm>>)
    %dma_wait3A_419 = arith.constant 0 : i32
    %dma_wait3A_420 = tpu.memref_slice %arg3[%add3A_244, %dma_wait3A_419] : memref<524288x128xf32, #tpu.memory_space<hbm>> -> memref<512x128xf32, #tpu.memory_space<hbm>>
    %dma_wait3A_421 = arith.constant 0 : i32
    %dma_wait3A_422 = tpu.memref_slice %arg3[%add3A_244, %dma_wait3A_421] : memref<524288x128xf32, #tpu.memory_space<hbm>> -> memref<512x128xf32, #tpu.memory_space<hbm>>
    tpu.wait_dma2 semaphore(%arg5 : memref<!tpu.dma_semaphore, #tpu.memory_space<semaphore_mem>>) src(%arg4 : memref<512x128xf32, #tpu.memory_space<vmem>>) dst(%dma_wait3A_422 : memref<512x128xf32, #tpu.memory_space<hbm>>)
    %dma_wait3A_423 = arith.constant 0 : i32
    %dma_wait3A_424 = tpu.memref_slice %arg3[%add3A_250, %dma_wait3A_423] : memref<524288x128xf32, #tpu.memory_space<hbm>> -> memref<512x128xf32, #tpu.memory_space<hbm>>
    %dma_wait3A_425 = arith.constant 0 : i32
    %dma_wait3A_426 = tpu.memref_slice %arg3[%add3A_250, %dma_wait3A_425] : memref<524288x128xf32, #tpu.memory_space<hbm>> -> memref<512x128xf32, #tpu.memory_space<hbm>>
    tpu.wait_dma2 semaphore(%arg5 : memref<!tpu.dma_semaphore, #tpu.memory_space<semaphore_mem>>) src(%arg4 : memref<512x128xf32, #tpu.memory_space<vmem>>) dst(%dma_wait3A_426 : memref<512x128xf32, #tpu.memory_space<hbm>>)
    %dma_wait3A_427 = arith.constant 0 : i32
    %dma_wait3A_428 = tpu.memref_slice %arg3[%add3A_256, %dma_wait3A_427] : memref<524288x128xf32, #tpu.memory_space<hbm>> -> memref<512x128xf32, #tpu.memory_space<hbm>>
    %dma_wait3A_429 = arith.constant 0 : i32
    %dma_wait3A_430 = tpu.memref_slice %arg3[%add3A_256, %dma_wait3A_429] : memref<524288x128xf32, #tpu.memory_space<hbm>> -> memref<512x128xf32, #tpu.memory_space<hbm>>
    tpu.wait_dma2 semaphore(%arg5 : memref<!tpu.dma_semaphore, #tpu.memory_space<semaphore_mem>>) src(%arg4 : memref<512x128xf32, #tpu.memory_space<vmem>>) dst(%dma_wait3A_430 : memref<512x128xf32, #tpu.memory_space<hbm>>)
    %dma_wait3A_431 = arith.constant 0 : i32
    %dma_wait3A_432 = tpu.memref_slice %arg3[%add3A_262, %dma_wait3A_431] : memref<524288x128xf32, #tpu.memory_space<hbm>> -> memref<512x128xf32, #tpu.memory_space<hbm>>
    %dma_wait3A_433 = arith.constant 0 : i32
    %dma_wait3A_434 = tpu.memref_slice %arg3[%add3A_262, %dma_wait3A_433] : memref<524288x128xf32, #tpu.memory_space<hbm>> -> memref<512x128xf32, #tpu.memory_space<hbm>>
    tpu.wait_dma2 semaphore(%arg5 : memref<!tpu.dma_semaphore, #tpu.memory_space<semaphore_mem>>) src(%arg4 : memref<512x128xf32, #tpu.memory_space<vmem>>) dst(%dma_wait3A_434 : memref<512x128xf32, #tpu.memory_space<hbm>>)
    %dma_wait3A_435 = arith.constant 0 : i32
    %dma_wait3A_436 = tpu.memref_slice %arg3[%add3A_268, %dma_wait3A_435] : memref<524288x128xf32, #tpu.memory_space<hbm>> -> memref<512x128xf32, #tpu.memory_space<hbm>>
    %dma_wait3A_437 = arith.constant 0 : i32
    %dma_wait3A_438 = tpu.memref_slice %arg3[%add3A_268, %dma_wait3A_437] : memref<524288x128xf32, #tpu.memory_space<hbm>> -> memref<512x128xf32, #tpu.memory_space<hbm>>
    tpu.wait_dma2 semaphore(%arg5 : memref<!tpu.dma_semaphore, #tpu.memory_space<semaphore_mem>>) src(%arg4 : memref<512x128xf32, #tpu.memory_space<vmem>>) dst(%dma_wait3A_438 : memref<512x128xf32, #tpu.memory_space<hbm>>)
    %dma_wait3A_439 = arith.constant 0 : i32
    %dma_wait3A_440 = tpu.memref_slice %arg3[%add3A_274, %dma_wait3A_439] : memref<524288x128xf32, #tpu.memory_space<hbm>> -> memref<512x128xf32, #tpu.memory_space<hbm>>
    %dma_wait3A_441 = arith.constant 0 : i32
    %dma_wait3A_442 = tpu.memref_slice %arg3[%add3A_274, %dma_wait3A_441] : memref<524288x128xf32, #tpu.memory_space<hbm>> -> memref<512x128xf32, #tpu.memory_space<hbm>>
    tpu.wait_dma2 semaphore(%arg5 : memref<!tpu.dma_semaphore, #tpu.memory_space<semaphore_mem>>) src(%arg4 : memref<512x128xf32, #tpu.memory_space<vmem>>) dst(%dma_wait3A_442 : memref<512x128xf32, #tpu.memory_space<hbm>>)
    %dma_wait3A_443 = arith.constant 0 : i32
    %dma_wait3A_444 = tpu.memref_slice %arg3[%add3A_280, %dma_wait3A_443] : memref<524288x128xf32, #tpu.memory_space<hbm>> -> memref<512x128xf32, #tpu.memory_space<hbm>>
    %dma_wait3A_445 = arith.constant 0 : i32
    %dma_wait3A_446 = tpu.memref_slice %arg3[%add3A_280, %dma_wait3A_445] : memref<524288x128xf32, #tpu.memory_space<hbm>> -> memref<512x128xf32, #tpu.memory_space<hbm>>
    tpu.wait_dma2 semaphore(%arg5 : memref<!tpu.dma_semaphore, #tpu.memory_space<semaphore_mem>>) src(%arg4 : memref<512x128xf32, #tpu.memory_space<vmem>>) dst(%dma_wait3A_446 : memref<512x128xf32, #tpu.memory_space<hbm>>)
    %dma_wait3A_447 = arith.constant 0 : i32
    %dma_wait3A_448 = tpu.memref_slice %arg3[%add3A_286, %dma_wait3A_447] : memref<524288x128xf32, #tpu.memory_space<hbm>> -> memref<512x128xf32, #tpu.memory_space<hbm>>
    %dma_wait3A_449 = arith.constant 0 : i32
    %dma_wait3A_450 = tpu.memref_slice %arg3[%add3A_286, %dma_wait3A_449] : memref<524288x128xf32, #tpu.memory_space<hbm>> -> memref<512x128xf32, #tpu.memory_space<hbm>>
    tpu.wait_dma2 semaphore(%arg5 : memref<!tpu.dma_semaphore, #tpu.memory_space<semaphore_mem>>) src(%arg4 : memref<512x128xf32, #tpu.memory_space<vmem>>) dst(%dma_wait3A_450 : memref<512x128xf32, #tpu.memory_space<hbm>>)
    %dma_wait3A_451 = arith.constant 0 : i32
    %dma_wait3A_452 = tpu.memref_slice %arg3[%add3A_292, %dma_wait3A_451] : memref<524288x128xf32, #tpu.memory_space<hbm>> -> memref<512x128xf32, #tpu.memory_space<hbm>>
    %dma_wait3A_453 = arith.constant 0 : i32
    %dma_wait3A_454 = tpu.memref_slice %arg3[%add3A_292, %dma_wait3A_453] : memref<524288x128xf32, #tpu.memory_space<hbm>> -> memref<512x128xf32, #tpu.memory_space<hbm>>
    tpu.wait_dma2 semaphore(%arg5 : memref<!tpu.dma_semaphore, #tpu.memory_space<semaphore_mem>>) src(%arg4 : memref<512x128xf32, #tpu.memory_space<vmem>>) dst(%dma_wait3A_454 : memref<512x128xf32, #tpu.memory_space<hbm>>)
    %dma_wait3A_455 = arith.constant 0 : i32
    %dma_wait3A_456 = tpu.memref_slice %arg3[%add3A_298, %dma_wait3A_455] : memref<524288x128xf32, #tpu.memory_space<hbm>> -> memref<512x128xf32, #tpu.memory_space<hbm>>
    %dma_wait3A_457 = arith.constant 0 : i32
    %dma_wait3A_458 = tpu.memref_slice %arg3[%add3A_298, %dma_wait3A_457] : memref<524288x128xf32, #tpu.memory_space<hbm>> -> memref<512x128xf32, #tpu.memory_space<hbm>>
    tpu.wait_dma2 semaphore(%arg5 : memref<!tpu.dma_semaphore, #tpu.memory_space<semaphore_mem>>) src(%arg4 : memref<512x128xf32, #tpu.memory_space<vmem>>) dst(%dma_wait3A_458 : memref<512x128xf32, #tpu.memory_space<hbm>>)
    %dma_wait3A_459 = arith.constant 0 : i32
    %dma_wait3A_460 = tpu.memref_slice %arg3[%add3A_304, %dma_wait3A_459] : memref<524288x128xf32, #tpu.memory_space<hbm>> -> memref<512x128xf32, #tpu.memory_space<hbm>>
    %dma_wait3A_461 = arith.constant 0 : i32
    %dma_wait3A_462 = tpu.memref_slice %arg3[%add3A_304, %dma_wait3A_461] : memref<524288x128xf32, #tpu.memory_space<hbm>> -> memref<512x128xf32, #tpu.memory_space<hbm>>
    tpu.wait_dma2 semaphore(%arg5 : memref<!tpu.dma_semaphore, #tpu.memory_space<semaphore_mem>>) src(%arg4 : memref<512x128xf32, #tpu.memory_space<vmem>>) dst(%dma_wait3A_462 : memref<512x128xf32, #tpu.memory_space<hbm>>)
    %dma_wait3A_463 = arith.constant 0 : i32
    %dma_wait3A_464 = tpu.memref_slice %arg3[%add3A_310, %dma_wait3A_463] : memref<524288x128xf32, #tpu.memory_space<hbm>> -> memref<512x128xf32, #tpu.memory_space<hbm>>
    %dma_wait3A_465 = arith.constant 0 : i32
    %dma_wait3A_466 = tpu.memref_slice %arg3[%add3A_310, %dma_wait3A_465] : memref<524288x128xf32, #tpu.memory_space<hbm>> -> memref<512x128xf32, #tpu.memory_space<hbm>>
    tpu.wait_dma2 semaphore(%arg5 : memref<!tpu.dma_semaphore, #tpu.memory_space<semaphore_mem>>) src(%arg4 : memref<512x128xf32, #tpu.memory_space<vmem>>) dst(%dma_wait3A_466 : memref<512x128xf32, #tpu.memory_space<hbm>>)
    %dma_wait3A_467 = arith.constant 0 : i32
    %dma_wait3A_468 = tpu.memref_slice %arg3[%add3A_316, %dma_wait3A_467] : memref<524288x128xf32, #tpu.memory_space<hbm>> -> memref<512x128xf32, #tpu.memory_space<hbm>>
    %dma_wait3A_469 = arith.constant 0 : i32
    %dma_wait3A_470 = tpu.memref_slice %arg3[%add3A_316, %dma_wait3A_469] : memref<524288x128xf32, #tpu.memory_space<hbm>> -> memref<512x128xf32, #tpu.memory_space<hbm>>
    tpu.wait_dma2 semaphore(%arg5 : memref<!tpu.dma_semaphore, #tpu.memory_space<semaphore_mem>>) src(%arg4 : memref<512x128xf32, #tpu.memory_space<vmem>>) dst(%dma_wait3A_470 : memref<512x128xf32, #tpu.memory_space<hbm>>)
    %dma_wait3A_471 = arith.constant 0 : i32
    %dma_wait3A_472 = tpu.memref_slice %arg3[%add3A_322, %dma_wait3A_471] : memref<524288x128xf32, #tpu.memory_space<hbm>> -> memref<512x128xf32, #tpu.memory_space<hbm>>
    %dma_wait3A_473 = arith.constant 0 : i32
    %dma_wait3A_474 = tpu.memref_slice %arg3[%add3A_322, %dma_wait3A_473] : memref<524288x128xf32, #tpu.memory_space<hbm>> -> memref<512x128xf32, #tpu.memory_space<hbm>>
    tpu.wait_dma2 semaphore(%arg5 : memref<!tpu.dma_semaphore, #tpu.memory_space<semaphore_mem>>) src(%arg4 : memref<512x128xf32, #tpu.memory_space<vmem>>) dst(%dma_wait3A_474 : memref<512x128xf32, #tpu.memory_space<hbm>>)
    %dma_wait3A_475 = arith.constant 0 : i32
    %dma_wait3A_476 = tpu.memref_slice %arg3[%add3A_328, %dma_wait3A_475] : memref<524288x128xf32, #tpu.memory_space<hbm>> -> memref<512x128xf32, #tpu.memory_space<hbm>>
    %dma_wait3A_477 = arith.constant 0 : i32
    %dma_wait3A_478 = tpu.memref_slice %arg3[%add3A_328, %dma_wait3A_477] : memref<524288x128xf32, #tpu.memory_space<hbm>> -> memref<512x128xf32, #tpu.memory_space<hbm>>
    tpu.wait_dma2 semaphore(%arg5 : memref<!tpu.dma_semaphore, #tpu.memory_space<semaphore_mem>>) src(%arg4 : memref<512x128xf32, #tpu.memory_space<vmem>>) dst(%dma_wait3A_478 : memref<512x128xf32, #tpu.memory_space<hbm>>)
    %dma_wait3A_479 = arith.constant 0 : i32
    %dma_wait3A_480 = tpu.memref_slice %arg3[%add3A_334, %dma_wait3A_479] : memref<524288x128xf32, #tpu.memory_space<hbm>> -> memref<512x128xf32, #tpu.memory_space<hbm>>
    %dma_wait3A_481 = arith.constant 0 : i32
    %dma_wait3A_482 = tpu.memref_slice %arg3[%add3A_334, %dma_wait3A_481] : memref<524288x128xf32, #tpu.memory_space<hbm>> -> memref<512x128xf32, #tpu.memory_space<hbm>>
    tpu.wait_dma2 semaphore(%arg5 : memref<!tpu.dma_semaphore, #tpu.memory_space<semaphore_mem>>) src(%arg4 : memref<512x128xf32, #tpu.memory_space<vmem>>) dst(%dma_wait3A_482 : memref<512x128xf32, #tpu.memory_space<hbm>>)
    %dma_wait3A_483 = arith.constant 0 : i32
    %dma_wait3A_484 = tpu.memref_slice %arg3[%add3A_340, %dma_wait3A_483] : memref<524288x128xf32, #tpu.memory_space<hbm>> -> memref<512x128xf32, #tpu.memory_space<hbm>>
    %dma_wait3A_485 = arith.constant 0 : i32
    %dma_wait3A_486 = tpu.memref_slice %arg3[%add3A_340, %dma_wait3A_485] : memref<524288x128xf32, #tpu.memory_space<hbm>> -> memref<512x128xf32, #tpu.memory_space<hbm>>
    tpu.wait_dma2 semaphore(%arg5 : memref<!tpu.dma_semaphore, #tpu.memory_space<semaphore_mem>>) src(%arg4 : memref<512x128xf32, #tpu.memory_space<vmem>>) dst(%dma_wait3A_486 : memref<512x128xf32, #tpu.memory_space<hbm>>)
    %dma_wait3A_487 = arith.constant 0 : i32
    %dma_wait3A_488 = tpu.memref_slice %arg3[%add3A_346, %dma_wait3A_487] : memref<524288x128xf32, #tpu.memory_space<hbm>> -> memref<512x128xf32, #tpu.memory_space<hbm>>
    %dma_wait3A_489 = arith.constant 0 : i32
    %dma_wait3A_490 = tpu.memref_slice %arg3[%add3A_346, %dma_wait3A_489] : memref<524288x128xf32, #tpu.memory_space<hbm>> -> memref<512x128xf32, #tpu.memory_space<hbm>>
    tpu.wait_dma2 semaphore(%arg5 : memref<!tpu.dma_semaphore, #tpu.memory_space<semaphore_mem>>) src(%arg4 : memref<512x128xf32, #tpu.memory_space<vmem>>) dst(%dma_wait3A_490 : memref<512x128xf32, #tpu.memory_space<hbm>>)
    %dma_wait3A_491 = arith.constant 0 : i32
    %dma_wait3A_492 = tpu.memref_slice %arg3[%add3A_352, %dma_wait3A_491] : memref<524288x128xf32, #tpu.memory_space<hbm>> -> memref<512x128xf32, #tpu.memory_space<hbm>>
    %dma_wait3A_493 = arith.constant 0 : i32
    %dma_wait3A_494 = tpu.memref_slice %arg3[%add3A_352, %dma_wait3A_493] : memref<524288x128xf32, #tpu.memory_space<hbm>> -> memref<512x128xf32, #tpu.memory_space<hbm>>
    tpu.wait_dma2 semaphore(%arg5 : memref<!tpu.dma_semaphore, #tpu.memory_space<semaphore_mem>>) src(%arg4 : memref<512x128xf32, #tpu.memory_space<vmem>>) dst(%dma_wait3A_494 : memref<512x128xf32, #tpu.memory_space<hbm>>)
    %dma_wait3A_495 = arith.constant 0 : i32
    %dma_wait3A_496 = tpu.memref_slice %arg3[%add3A_358, %dma_wait3A_495] : memref<524288x128xf32, #tpu.memory_space<hbm>> -> memref<512x128xf32, #tpu.memory_space<hbm>>
    %dma_wait3A_497 = arith.constant 0 : i32
    %dma_wait3A_498 = tpu.memref_slice %arg3[%add3A_358, %dma_wait3A_497] : memref<524288x128xf32, #tpu.memory_space<hbm>> -> memref<512x128xf32, #tpu.memory_space<hbm>>
    tpu.wait_dma2 semaphore(%arg5 : memref<!tpu.dma_semaphore, #tpu.memory_space<semaphore_mem>>) src(%arg4 : memref<512x128xf32, #tpu.memory_space<vmem>>) dst(%dma_wait3A_498 : memref<512x128xf32, #tpu.memory_space<hbm>>)
    %dma_wait3A_499 = arith.constant 0 : i32
    %dma_wait3A_500 = tpu.memref_slice %arg3[%add3A_364, %dma_wait3A_499] : memref<524288x128xf32, #tpu.memory_space<hbm>> -> memref<512x128xf32, #tpu.memory_space<hbm>>
    %dma_wait3A_501 = arith.constant 0 : i32
    %dma_wait3A_502 = tpu.memref_slice %arg3[%add3A_364, %dma_wait3A_501] : memref<524288x128xf32, #tpu.memory_space<hbm>> -> memref<512x128xf32, #tpu.memory_space<hbm>>
    tpu.wait_dma2 semaphore(%arg5 : memref<!tpu.dma_semaphore, #tpu.memory_space<semaphore_mem>>) src(%arg4 : memref<512x128xf32, #tpu.memory_space<vmem>>) dst(%dma_wait3A_502 : memref<512x128xf32, #tpu.memory_space<hbm>>)
    %dma_wait3A_503 = arith.constant 0 : i32
    %dma_wait3A_504 = tpu.memref_slice %arg3[%add3A_370, %dma_wait3A_503] : memref<524288x128xf32, #tpu.memory_space<hbm>> -> memref<512x128xf32, #tpu.memory_space<hbm>>
    %dma_wait3A_505 = arith.constant 0 : i32
    %dma_wait3A_506 = tpu.memref_slice %arg3[%add3A_370, %dma_wait3A_505] : memref<524288x128xf32, #tpu.memory_space<hbm>> -> memref<512x128xf32, #tpu.memory_space<hbm>>
    tpu.wait_dma2 semaphore(%arg5 : memref<!tpu.dma_semaphore, #tpu.memory_space<semaphore_mem>>) src(%arg4 : memref<512x128xf32, #tpu.memory_space<vmem>>) dst(%dma_wait3A_506 : memref<512x128xf32, #tpu.memory_space<hbm>>)
    %dma_wait3A_507 = arith.constant 0 : i32
    %dma_wait3A_508 = tpu.memref_slice %arg3[%add3A_376, %dma_wait3A_507] : memref<524288x128xf32, #tpu.memory_space<hbm>> -> memref<512x128xf32, #tpu.memory_space<hbm>>
    %dma_wait3A_509 = arith.constant 0 : i32
    %dma_wait3A_510 = tpu.memref_slice %arg3[%add3A_376, %dma_wait3A_509] : memref<524288x128xf32, #tpu.memory_space<hbm>> -> memref<512x128xf32, #tpu.memory_space<hbm>>
    tpu.wait_dma2 semaphore(%arg5 : memref<!tpu.dma_semaphore, #tpu.memory_space<semaphore_mem>>) src(%arg4 : memref<512x128xf32, #tpu.memory_space<vmem>>) dst(%dma_wait3A_510 : memref<512x128xf32, #tpu.memory_space<hbm>>)
    %dma_wait3A_511 = arith.constant 0 : i32
    %dma_wait3A_512 = tpu.memref_slice %arg3[%add3A_382, %dma_wait3A_511] : memref<524288x128xf32, #tpu.memory_space<hbm>> -> memref<512x128xf32, #tpu.memory_space<hbm>>
    %dma_wait3A_513 = arith.constant 0 : i32
    %dma_wait3A_514 = tpu.memref_slice %arg3[%add3A_382, %dma_wait3A_513] : memref<524288x128xf32, #tpu.memory_space<hbm>> -> memref<512x128xf32, #tpu.memory_space<hbm>>
    tpu.wait_dma2 semaphore(%arg5 : memref<!tpu.dma_semaphore, #tpu.memory_space<semaphore_mem>>) src(%arg4 : memref<512x128xf32, #tpu.memory_space<vmem>>) dst(%dma_wait3A_514 : memref<512x128xf32, #tpu.memory_space<hbm>>)
    return
  }
}

module attributes {stable_mosaic.version = 14 : i64} {
  func.func @_quant_body(%arg0: i32, %arg1: memref<128x32xf32, #tpu.memory_space<vmem>>, %arg2: memref<8x32x2048xf32, #tpu.memory_space<vmem>>, %arg3: memref<8x32x2048xf32, #tpu.memory_space<vmem>>, %arg4: memref<8x32x2048xf32, #tpu.memory_space<vmem>>) attributes {dimension_semantics = [#tpu.dimension_semantics<arbitrary>], iteration_bounds = array<i64: 8>, scalar_prefetch = 0 : i64, scratch_operands = 0 : i64, tpu.core_type = #tpu.core_type<tc>, window_params = [{pipeline_mode = #tpu.pipeline_mode<synchronous>, transform_indices = @transform_0, window_bounds = array<i64: 128, 32>}, {transform_indices = @transform_1, window_bounds = array<i64: 8, 32, 2048>}, {transform_indices = @transform_2, window_bounds = array<i64: 8, 32, 2048>}, {transform_indices = @transform_3, window_bounds = array<i64: 8, 32, 2048>}]} {
    %get3A = arith.constant 0 : index
    %get3A_0 = arith.constant 0 : index
    %get3A_1 = vector.load %arg1[%get3A, %get3A_0] : memref<128x32xf32, #tpu.memory_space<vmem>>, vector<128x32xf32>
    %mul3A = arith.mulf %get3A_1, %get3A_1 : vector<128x32xf32>
    %reduce_sum3A = arith.constant dense<0.000000e+00> : vector<128xf32>
    %reduce_sum3A_2 = vector.multi_reduction <add>, %mul3A, %reduce_sum3A [1] : vector<128x32xf32> to vector<128xf32>
    %broadcast_in_dim3A = vector.shape_cast %reduce_sum3A_2 : vector<128xf32> to vector<128x1xf32>
    %get3A_3 = arith.constant 0 : index
    %get3A_4 = arith.constant 0 : index
    %get3A_5 = arith.constant 0 : index
    %get3A_6 = vector.load %arg2[%get3A_3, %get3A_4, %get3A_5] : memref<8x32x2048xf32, #tpu.memory_space<vmem>>, vector<1x32x2048xf32>
    %get3A_7 = vector.shape_cast %get3A_6 : vector<1x32x2048xf32> to vector<32x2048xf32>
    %dot_general3A = arith.constant dense<0.000000e+00> : vector<128x2048xf32>
    %dot_general3A_8 = tpu.matmul %get3A_1, %get3A_7, %dot_general3A {dimension_numbers = #tpu.dot_dimension_numbers<[1], [0], [0], [1], [0, 0, 1, 1], [], []>, transpose_lhs_hint = false} : vector<128x32xf32>, vector<32x2048xf32>, vector<128x2048xf32> -> vector<128x2048xf32>
    %mul3A_9 = arith.mulf %get3A_7, %get3A_7 : vector<32x2048xf32>
    %reduce_sum3A_10 = arith.constant dense<0.000000e+00> : vector<2048xf32>
    %reduce_sum3A_11 = vector.multi_reduction <add>, %mul3A_9, %reduce_sum3A_10 [0] : vector<32x2048xf32> to vector<2048xf32>
    %broadcast_in_dim3A_12 = vector.shape_cast %reduce_sum3A_11 : vector<2048xf32> to vector<1x2048xf32>
    %add3A = vector.broadcast %broadcast_in_dim3A_12 : vector<1x2048xf32> to vector<128x2048xf32>
    %add3A_13 = vector.broadcast %broadcast_in_dim3A : vector<128x1xf32> to vector<128x2048xf32>
    %add3A_14 = arith.addf %add3A, %add3A_13 : vector<128x2048xf32>
    %mul3A_15 = arith.constant 2.000000e+00 : f32
    %mul3A_16 = vector.broadcast %mul3A_15 : f32 to vector<128x2048xf32>
    %mul3A_17 = arith.mulf %mul3A_16, %dot_general3A_8 : vector<128x2048xf32>
    %sub3A = arith.subf %add3A_14, %mul3A_17 : vector<128x2048xf32>
    %reduce_min3A = arith.constant dense<0x7F800000> : vector<2048xf32>
    %reduce_min3A_18 = vector.multi_reduction <minimumf>, %sub3A, %reduce_min3A [0] : vector<128x2048xf32> to vector<2048xf32>
    %broadcast_in_dim3A_19 = vector.shape_cast %reduce_min3A_18 : vector<2048xf32> to vector<1x2048xf32>
    %iota3A = tpu.iota {dimensions = array<i32: 0>} : vector<128x2048xi32>
    %eq3A = vector.broadcast %broadcast_in_dim3A_19 : vector<1x2048xf32> to vector<128x2048xf32>
    %eq3A_20 = arith.cmpf oeq, %sub3A, %eq3A : vector<128x2048xf32>
    %jit3A = arith.constant 128 : i32
    %broadcast_in_dim3A_21 = vector.broadcast %jit3A : i32 to vector<128x2048xi32>
    %select_n3A = arith.select %eq3A_20, %iota3A, %broadcast_in_dim3A_21 : vector<128x2048xi1>, vector<128x2048xi32>
    %reduce_min3A_22 = arith.constant dense<2147483647> : vector<2048xi32>
    %reduce_min3A_23 = vector.multi_reduction <minsi>, %select_n3A, %reduce_min3A_22 [0] : vector<128x2048xi32> to vector<2048xi32>
    %broadcast_in_dim3A_24 = vector.shape_cast %reduce_min3A_23 : vector<2048xi32> to vector<1x2048xi32>
    %eq3A_25 = vector.broadcast %broadcast_in_dim3A_24 : vector<1x2048xi32> to vector<128x2048xi32>
    %eq3A_26 = arith.cmpi eq, %iota3A, %eq3A_25 : vector<128x2048xi32>
    %convert_element_type3A = arith.extui %eq3A_26 : vector<128x2048xi1> to vector<128x2048xi32>
    %convert_element_type3A_27 = arith.sitofp %convert_element_type3A : vector<128x2048xi32> to vector<128x2048xf32>
    %dot_general3A_28 = arith.constant dense<0.000000e+00> : vector<32x2048xf32>
    %dot_general3A_29 = tpu.matmul %get3A_1, %convert_element_type3A_27, %dot_general3A_28 {dimension_numbers = #tpu.dot_dimension_numbers<[0], [0], [1], [1], [0, 1, 1, 1], [], []>, transpose_lhs_hint = false} : vector<128x32xf32>, vector<128x2048xf32>, vector<32x2048xf32> -> vector<32x2048xf32>
    %swap3A = arith.constant 0 : index
    %swap3A_30 = arith.constant 0 : index
    %swap3A_31 = arith.constant 0 : index
    %swap3A_32 = vector.load %arg3[%swap3A, %swap3A_30, %swap3A_31] : memref<8x32x2048xf32, #tpu.memory_space<vmem>>, vector<1x32x2048xf32>
    %swap3A_33 = vector.shape_cast %swap3A_32 : vector<1x32x2048xf32> to vector<32x2048xf32>
    %swap3A_34 = vector.shape_cast %dot_general3A_29 : vector<32x2048xf32> to vector<1x32x2048xf32>
    tpu.vector_store %arg3[%swap3A, %swap3A_30, %swap3A_31], %swap3A_34 {strides = array<i32>} : memref<8x32x2048xf32, #tpu.memory_space<vmem>>, vector<1x32x2048xf32>,
    %swap3A_35 = arith.constant 0 : index
    %swap3A_36 = arith.constant 0 : index
    %swap3A_37 = arith.constant 0 : index
    %swap3A_38 = vector.load %arg4[%swap3A_35, %swap3A_36, %swap3A_37] : memref<8x32x2048xf32, #tpu.memory_space<vmem>>, vector<1x32x2048xf32>
    %swap3A_39 = vector.shape_cast %swap3A_38 : vector<1x32x2048xf32> to vector<32x2048xf32>
    %swap3A_40 = vector.shape_cast %dot_general3A_29 : vector<32x2048xf32> to vector<1x32x2048xf32>
    tpu.vector_store %arg4[%swap3A_35, %swap3A_36, %swap3A_37], %swap3A_40 {strides = array<i32>} : memref<8x32x2048xf32, #tpu.memory_space<vmem>>, vector<1x32x2048xf32>,
    %get3A_41 = arith.constant 1 : index
    %get3A_42 = arith.constant 0 : index
    %get3A_43 = arith.constant 0 : index
    %get3A_44 = vector.load %arg2[%get3A_41, %get3A_42, %get3A_43] : memref<8x32x2048xf32, #tpu.memory_space<vmem>>, vector<1x32x2048xf32>
    %get3A_45 = vector.shape_cast %get3A_44 : vector<1x32x2048xf32> to vector<32x2048xf32>
    %dot_general3A_46 = arith.constant dense<0.000000e+00> : vector<128x2048xf32>
    %dot_general3A_47 = tpu.matmul %get3A_1, %get3A_45, %dot_general3A_46 {dimension_numbers = #tpu.dot_dimension_numbers<[1], [0], [0], [1], [0, 0, 1, 1], [], []>, transpose_lhs_hint = false} : vector<128x32xf32>, vector<32x2048xf32>, vector<128x2048xf32> -> vector<128x2048xf32>
    %mul3A_48 = arith.mulf %get3A_45, %get3A_45 : vector<32x2048xf32>
    %reduce_sum3A_49 = arith.constant dense<0.000000e+00> : vector<2048xf32>
    %reduce_sum3A_50 = vector.multi_reduction <add>, %mul3A_48, %reduce_sum3A_49 [0] : vector<32x2048xf32> to vector<2048xf32>
    %broadcast_in_dim3A_51 = vector.shape_cast %reduce_sum3A_50 : vector<2048xf32> to vector<1x2048xf32>
    %add3A_52 = vector.broadcast %broadcast_in_dim3A_51 : vector<1x2048xf32> to vector<128x2048xf32>
    %add3A_53 = vector.broadcast %broadcast_in_dim3A : vector<128x1xf32> to vector<128x2048xf32>
    %add3A_54 = arith.addf %add3A_52, %add3A_53 : vector<128x2048xf32>
    %mul3A_55 = arith.constant 2.000000e+00 : f32
    %mul3A_56 = vector.broadcast %mul3A_55 : f32 to vector<128x2048xf32>
    %mul3A_57 = arith.mulf %mul3A_56, %dot_general3A_47 : vector<128x2048xf32>
    %sub3A_58 = arith.subf %add3A_54, %mul3A_57 : vector<128x2048xf32>
    %reduce_min3A_59 = arith.constant dense<0x7F800000> : vector<2048xf32>
    %reduce_min3A_60 = vector.multi_reduction <minimumf>, %sub3A_58, %reduce_min3A_59 [0] : vector<128x2048xf32> to vector<2048xf32>
    %broadcast_in_dim3A_61 = vector.shape_cast %reduce_min3A_60 : vector<2048xf32> to vector<1x2048xf32>
    %iota3A_62 = tpu.iota {dimensions = array<i32: 0>} : vector<128x2048xi32>
    %eq3A_63 = vector.broadcast %broadcast_in_dim3A_61 : vector<1x2048xf32> to vector<128x2048xf32>
    %eq3A_64 = arith.cmpf oeq, %sub3A_58, %eq3A_63 : vector<128x2048xf32>
    %jit3A_65 = arith.constant 128 : i32
    %broadcast_in_dim3A_66 = vector.broadcast %jit3A_65 : i32 to vector<128x2048xi32>
    %select_n3A_67 = arith.select %eq3A_64, %iota3A_62, %broadcast_in_dim3A_66 : vector<128x2048xi1>, vector<128x2048xi32>
    %reduce_min3A_68 = arith.constant dense<2147483647> : vector<2048xi32>
    %reduce_min3A_69 = vector.multi_reduction <minsi>, %select_n3A_67, %reduce_min3A_68 [0] : vector<128x2048xi32> to vector<2048xi32>
    %broadcast_in_dim3A_70 = vector.shape_cast %reduce_min3A_69 : vector<2048xi32> to vector<1x2048xi32>
    %eq3A_71 = vector.broadcast %broadcast_in_dim3A_70 : vector<1x2048xi32> to vector<128x2048xi32>
    %eq3A_72 = arith.cmpi eq, %iota3A_62, %eq3A_71 : vector<128x2048xi32>
    %convert_element_type3A_73 = arith.extui %eq3A_72 : vector<128x2048xi1> to vector<128x2048xi32>
    %convert_element_type3A_74 = arith.sitofp %convert_element_type3A_73 : vector<128x2048xi32> to vector<128x2048xf32>
    %dot_general3A_75 = arith.constant dense<0.000000e+00> : vector<32x2048xf32>
    %dot_general3A_76 = tpu.matmul %get3A_1, %convert_element_type3A_74, %dot_general3A_75 {dimension_numbers = #tpu.dot_dimension_numbers<[0], [0], [1], [1], [0, 1, 1, 1], [], []>, transpose_lhs_hint = false} : vector<128x32xf32>, vector<128x2048xf32>, vector<32x2048xf32> -> vector<32x2048xf32>
    %swap3A_77 = arith.constant 1 : index
    %swap3A_78 = arith.constant 0 : index
    %swap3A_79 = arith.constant 0 : index
    %swap3A_80 = vector.load %arg3[%swap3A_77, %swap3A_78, %swap3A_79] : memref<8x32x2048xf32, #tpu.memory_space<vmem>>, vector<1x32x2048xf32>
    %swap3A_81 = vector.shape_cast %swap3A_80 : vector<1x32x2048xf32> to vector<32x2048xf32>
    %swap3A_82 = vector.shape_cast %dot_general3A_76 : vector<32x2048xf32> to vector<1x32x2048xf32>
    tpu.vector_store %arg3[%swap3A_77, %swap3A_78, %swap3A_79], %swap3A_82 {strides = array<i32>} : memref<8x32x2048xf32, #tpu.memory_space<vmem>>, vector<1x32x2048xf32>,
    %swap3A_83 = arith.constant 1 : index
    %swap3A_84 = arith.constant 0 : index
    %swap3A_85 = arith.constant 0 : index
    %swap3A_86 = vector.load %arg4[%swap3A_83, %swap3A_84, %swap3A_85] : memref<8x32x2048xf32, #tpu.memory_space<vmem>>, vector<1x32x2048xf32>
    %swap3A_87 = vector.shape_cast %swap3A_86 : vector<1x32x2048xf32> to vector<32x2048xf32>
    %swap3A_88 = vector.shape_cast %dot_general3A_76 : vector<32x2048xf32> to vector<1x32x2048xf32>
    tpu.vector_store %arg4[%swap3A_83, %swap3A_84, %swap3A_85], %swap3A_88 {strides = array<i32>} : memref<8x32x2048xf32, #tpu.memory_space<vmem>>, vector<1x32x2048xf32>,
    %get3A_89 = arith.constant 2 : index
    %get3A_90 = arith.constant 0 : index
    %get3A_91 = arith.constant 0 : index
    %get3A_92 = vector.load %arg2[%get3A_89, %get3A_90, %get3A_91] : memref<8x32x2048xf32, #tpu.memory_space<vmem>>, vector<1x32x2048xf32>
    %get3A_93 = vector.shape_cast %get3A_92 : vector<1x32x2048xf32> to vector<32x2048xf32>
    %dot_general3A_94 = arith.constant dense<0.000000e+00> : vector<128x2048xf32>
    %dot_general3A_95 = tpu.matmul %get3A_1, %get3A_93, %dot_general3A_94 {dimension_numbers = #tpu.dot_dimension_numbers<[1], [0], [0], [1], [0, 0, 1, 1], [], []>, transpose_lhs_hint = false} : vector<128x32xf32>, vector<32x2048xf32>, vector<128x2048xf32> -> vector<128x2048xf32>
    %mul3A_96 = arith.mulf %get3A_93, %get3A_93 : vector<32x2048xf32>
    %reduce_sum3A_97 = arith.constant dense<0.000000e+00> : vector<2048xf32>
    %reduce_sum3A_98 = vector.multi_reduction <add>, %mul3A_96, %reduce_sum3A_97 [0] : vector<32x2048xf32> to vector<2048xf32>
    %broadcast_in_dim3A_99 = vector.shape_cast %reduce_sum3A_98 : vector<2048xf32> to vector<1x2048xf32>
    %add3A_100 = vector.broadcast %broadcast_in_dim3A_99 : vector<1x2048xf32> to vector<128x2048xf32>
    %add3A_101 = vector.broadcast %broadcast_in_dim3A : vector<128x1xf32> to vector<128x2048xf32>
    %add3A_102 = arith.addf %add3A_100, %add3A_101 : vector<128x2048xf32>
    %mul3A_103 = arith.constant 2.000000e+00 : f32
    %mul3A_104 = vector.broadcast %mul3A_103 : f32 to vector<128x2048xf32>
    %mul3A_105 = arith.mulf %mul3A_104, %dot_general3A_95 : vector<128x2048xf32>
    %sub3A_106 = arith.subf %add3A_102, %mul3A_105 : vector<128x2048xf32>
    %reduce_min3A_107 = arith.constant dense<0x7F800000> : vector<2048xf32>
    %reduce_min3A_108 = vector.multi_reduction <minimumf>, %sub3A_106, %reduce_min3A_107 [0] : vector<128x2048xf32> to vector<2048xf32>
    %broadcast_in_dim3A_109 = vector.shape_cast %reduce_min3A_108 : vector<2048xf32> to vector<1x2048xf32>
    %iota3A_110 = tpu.iota {dimensions = array<i32: 0>} : vector<128x2048xi32>
    %eq3A_111 = vector.broadcast %broadcast_in_dim3A_109 : vector<1x2048xf32> to vector<128x2048xf32>
    %eq3A_112 = arith.cmpf oeq, %sub3A_106, %eq3A_111 : vector<128x2048xf32>
    %jit3A_113 = arith.constant 128 : i32
    %broadcast_in_dim3A_114 = vector.broadcast %jit3A_113 : i32 to vector<128x2048xi32>
    %select_n3A_115 = arith.select %eq3A_112, %iota3A_110, %broadcast_in_dim3A_114 : vector<128x2048xi1>, vector<128x2048xi32>
    %reduce_min3A_116 = arith.constant dense<2147483647> : vector<2048xi32>
    %reduce_min3A_117 = vector.multi_reduction <minsi>, %select_n3A_115, %reduce_min3A_116 [0] : vector<128x2048xi32> to vector<2048xi32>
    %broadcast_in_dim3A_118 = vector.shape_cast %reduce_min3A_117 : vector<2048xi32> to vector<1x2048xi32>
    %eq3A_119 = vector.broadcast %broadcast_in_dim3A_118 : vector<1x2048xi32> to vector<128x2048xi32>
    %eq3A_120 = arith.cmpi eq, %iota3A_110, %eq3A_119 : vector<128x2048xi32>
    %convert_element_type3A_121 = arith.extui %eq3A_120 : vector<128x2048xi1> to vector<128x2048xi32>
    %convert_element_type3A_122 = arith.sitofp %convert_element_type3A_121 : vector<128x2048xi32> to vector<128x2048xf32>
    %dot_general3A_123 = arith.constant dense<0.000000e+00> : vector<32x2048xf32>
    %dot_general3A_124 = tpu.matmul %get3A_1, %convert_element_type3A_122, %dot_general3A_123 {dimension_numbers = #tpu.dot_dimension_numbers<[0], [0], [1], [1], [0, 1, 1, 1], [], []>, transpose_lhs_hint = false} : vector<128x32xf32>, vector<128x2048xf32>, vector<32x2048xf32> -> vector<32x2048xf32>
    %swap3A_125 = arith.constant 2 : index
    %swap3A_126 = arith.constant 0 : index
    %swap3A_127 = arith.constant 0 : index
    %swap3A_128 = vector.load %arg3[%swap3A_125, %swap3A_126, %swap3A_127] : memref<8x32x2048xf32, #tpu.memory_space<vmem>>, vector<1x32x2048xf32>
    %swap3A_129 = vector.shape_cast %swap3A_128 : vector<1x32x2048xf32> to vector<32x2048xf32>
    %swap3A_130 = vector.shape_cast %dot_general3A_124 : vector<32x2048xf32> to vector<1x32x2048xf32>
    tpu.vector_store %arg3[%swap3A_125, %swap3A_126, %swap3A_127], %swap3A_130 {strides = array<i32>} : memref<8x32x2048xf32, #tpu.memory_space<vmem>>, vector<1x32x2048xf32>,
    %swap3A_131 = arith.constant 2 : index
    %swap3A_132 = arith.constant 0 : index
    %swap3A_133 = arith.constant 0 : index
    %swap3A_134 = vector.load %arg4[%swap3A_131, %swap3A_132, %swap3A_133] : memref<8x32x2048xf32, #tpu.memory_space<vmem>>, vector<1x32x2048xf32>
    %swap3A_135 = vector.shape_cast %swap3A_134 : vector<1x32x2048xf32> to vector<32x2048xf32>
    %swap3A_136 = vector.shape_cast %dot_general3A_124 : vector<32x2048xf32> to vector<1x32x2048xf32>
    tpu.vector_store %arg4[%swap3A_131, %swap3A_132, %swap3A_133], %swap3A_136 {strides = array<i32>} : memref<8x32x2048xf32, #tpu.memory_space<vmem>>, vector<1x32x2048xf32>,
    %get3A_137 = arith.constant 3 : index
    %get3A_138 = arith.constant 0 : index
    %get3A_139 = arith.constant 0 : index
    %get3A_140 = vector.load %arg2[%get3A_137, %get3A_138, %get3A_139] : memref<8x32x2048xf32, #tpu.memory_space<vmem>>, vector<1x32x2048xf32>
    %get3A_141 = vector.shape_cast %get3A_140 : vector<1x32x2048xf32> to vector<32x2048xf32>
    %dot_general3A_142 = arith.constant dense<0.000000e+00> : vector<128x2048xf32>
    %dot_general3A_143 = tpu.matmul %get3A_1, %get3A_141, %dot_general3A_142 {dimension_numbers = #tpu.dot_dimension_numbers<[1], [0], [0], [1], [0, 0, 1, 1], [], []>, transpose_lhs_hint = false} : vector<128x32xf32>, vector<32x2048xf32>, vector<128x2048xf32> -> vector<128x2048xf32>
    %mul3A_144 = arith.mulf %get3A_141, %get3A_141 : vector<32x2048xf32>
    %reduce_sum3A_145 = arith.constant dense<0.000000e+00> : vector<2048xf32>
    %reduce_sum3A_146 = vector.multi_reduction <add>, %mul3A_144, %reduce_sum3A_145 [0] : vector<32x2048xf32> to vector<2048xf32>
    %broadcast_in_dim3A_147 = vector.shape_cast %reduce_sum3A_146 : vector<2048xf32> to vector<1x2048xf32>
    %add3A_148 = vector.broadcast %broadcast_in_dim3A_147 : vector<1x2048xf32> to vector<128x2048xf32>
    %add3A_149 = vector.broadcast %broadcast_in_dim3A : vector<128x1xf32> to vector<128x2048xf32>
    %add3A_150 = arith.addf %add3A_148, %add3A_149 : vector<128x2048xf32>
    %mul3A_151 = arith.constant 2.000000e+00 : f32
    %mul3A_152 = vector.broadcast %mul3A_151 : f32 to vector<128x2048xf32>
    %mul3A_153 = arith.mulf %mul3A_152, %dot_general3A_143 : vector<128x2048xf32>
    %sub3A_154 = arith.subf %add3A_150, %mul3A_153 : vector<128x2048xf32>
    %reduce_min3A_155 = arith.constant dense<0x7F800000> : vector<2048xf32>
    %reduce_min3A_156 = vector.multi_reduction <minimumf>, %sub3A_154, %reduce_min3A_155 [0] : vector<128x2048xf32> to vector<2048xf32>
    %broadcast_in_dim3A_157 = vector.shape_cast %reduce_min3A_156 : vector<2048xf32> to vector<1x2048xf32>
    %iota3A_158 = tpu.iota {dimensions = array<i32: 0>} : vector<128x2048xi32>
    %eq3A_159 = vector.broadcast %broadcast_in_dim3A_157 : vector<1x2048xf32> to vector<128x2048xf32>
    %eq3A_160 = arith.cmpf oeq, %sub3A_154, %eq3A_159 : vector<128x2048xf32>
    %jit3A_161 = arith.constant 128 : i32
    %broadcast_in_dim3A_162 = vector.broadcast %jit3A_161 : i32 to vector<128x2048xi32>
    %select_n3A_163 = arith.select %eq3A_160, %iota3A_158, %broadcast_in_dim3A_162 : vector<128x2048xi1>, vector<128x2048xi32>
    %reduce_min3A_164 = arith.constant dense<2147483647> : vector<2048xi32>
    %reduce_min3A_165 = vector.multi_reduction <minsi>, %select_n3A_163, %reduce_min3A_164 [0] : vector<128x2048xi32> to vector<2048xi32>
    %broadcast_in_dim3A_166 = vector.shape_cast %reduce_min3A_165 : vector<2048xi32> to vector<1x2048xi32>
    %eq3A_167 = vector.broadcast %broadcast_in_dim3A_166 : vector<1x2048xi32> to vector<128x2048xi32>
    %eq3A_168 = arith.cmpi eq, %iota3A_158, %eq3A_167 : vector<128x2048xi32>
    %convert_element_type3A_169 = arith.extui %eq3A_168 : vector<128x2048xi1> to vector<128x2048xi32>
    %convert_element_type3A_170 = arith.sitofp %convert_element_type3A_169 : vector<128x2048xi32> to vector<128x2048xf32>
    %dot_general3A_171 = arith.constant dense<0.000000e+00> : vector<32x2048xf32>
    %dot_general3A_172 = tpu.matmul %get3A_1, %convert_element_type3A_170, %dot_general3A_171 {dimension_numbers = #tpu.dot_dimension_numbers<[0], [0], [1], [1], [0, 1, 1, 1], [], []>, transpose_lhs_hint = false} : vector<128x32xf32>, vector<128x2048xf32>, vector<32x2048xf32> -> vector<32x2048xf32>
    %swap3A_173 = arith.constant 3 : index
    %swap3A_174 = arith.constant 0 : index
    %swap3A_175 = arith.constant 0 : index
    %swap3A_176 = vector.load %arg3[%swap3A_173, %swap3A_174, %swap3A_175] : memref<8x32x2048xf32, #tpu.memory_space<vmem>>, vector<1x32x2048xf32>
    %swap3A_177 = vector.shape_cast %swap3A_176 : vector<1x32x2048xf32> to vector<32x2048xf32>
    %swap3A_178 = vector.shape_cast %dot_general3A_172 : vector<32x2048xf32> to vector<1x32x2048xf32>
    tpu.vector_store %arg3[%swap3A_173, %swap3A_174, %swap3A_175], %swap3A_178 {strides = array<i32>} : memref<8x32x2048xf32, #tpu.memory_space<vmem>>, vector<1x32x2048xf32>,
    %swap3A_179 = arith.constant 3 : index
    %swap3A_180 = arith.constant 0 : index
    %swap3A_181 = arith.constant 0 : index
    %swap3A_182 = vector.load %arg4[%swap3A_179, %swap3A_180, %swap3A_181] : memref<8x32x2048xf32, #tpu.memory_space<vmem>>, vector<1x32x2048xf32>
    %swap3A_183 = vector.shape_cast %swap3A_182 : vector<1x32x2048xf32> to vector<32x2048xf32>
    %swap3A_184 = vector.shape_cast %dot_general3A_172 : vector<32x2048xf32> to vector<1x32x2048xf32>
    tpu.vector_store %arg4[%swap3A_179, %swap3A_180, %swap3A_181], %swap3A_184 {strides = array<i32>} : memref<8x32x2048xf32, #tpu.memory_space<vmem>>, vector<1x32x2048xf32>,
    %get3A_185 = arith.constant 4 : index
    %get3A_186 = arith.constant 0 : index
    %get3A_187 = arith.constant 0 : index
    %get3A_188 = vector.load %arg2[%get3A_185, %get3A_186, %get3A_187] : memref<8x32x2048xf32, #tpu.memory_space<vmem>>, vector<1x32x2048xf32>
    %get3A_189 = vector.shape_cast %get3A_188 : vector<1x32x2048xf32> to vector<32x2048xf32>
    %dot_general3A_190 = arith.constant dense<0.000000e+00> : vector<128x2048xf32>
    %dot_general3A_191 = tpu.matmul %get3A_1, %get3A_189, %dot_general3A_190 {dimension_numbers = #tpu.dot_dimension_numbers<[1], [0], [0], [1], [0, 0, 1, 1], [], []>, transpose_lhs_hint = false} : vector<128x32xf32>, vector<32x2048xf32>, vector<128x2048xf32> -> vector<128x2048xf32>
    %mul3A_192 = arith.mulf %get3A_189, %get3A_189 : vector<32x2048xf32>
    %reduce_sum3A_193 = arith.constant dense<0.000000e+00> : vector<2048xf32>
    %reduce_sum3A_194 = vector.multi_reduction <add>, %mul3A_192, %reduce_sum3A_193 [0] : vector<32x2048xf32> to vector<2048xf32>
    %broadcast_in_dim3A_195 = vector.shape_cast %reduce_sum3A_194 : vector<2048xf32> to vector<1x2048xf32>
    %add3A_196 = vector.broadcast %broadcast_in_dim3A_195 : vector<1x2048xf32> to vector<128x2048xf32>
    %add3A_197 = vector.broadcast %broadcast_in_dim3A : vector<128x1xf32> to vector<128x2048xf32>
    %add3A_198 = arith.addf %add3A_196, %add3A_197 : vector<128x2048xf32>
    %mul3A_199 = arith.constant 2.000000e+00 : f32
    %mul3A_200 = vector.broadcast %mul3A_199 : f32 to vector<128x2048xf32>
    %mul3A_201 = arith.mulf %mul3A_200, %dot_general3A_191 : vector<128x2048xf32>
    %sub3A_202 = arith.subf %add3A_198, %mul3A_201 : vector<128x2048xf32>
    %reduce_min3A_203 = arith.constant dense<0x7F800000> : vector<2048xf32>
    %reduce_min3A_204 = vector.multi_reduction <minimumf>, %sub3A_202, %reduce_min3A_203 [0] : vector<128x2048xf32> to vector<2048xf32>
    %broadcast_in_dim3A_205 = vector.shape_cast %reduce_min3A_204 : vector<2048xf32> to vector<1x2048xf32>
    %iota3A_206 = tpu.iota {dimensions = array<i32: 0>} : vector<128x2048xi32>
    %eq3A_207 = vector.broadcast %broadcast_in_dim3A_205 : vector<1x2048xf32> to vector<128x2048xf32>
    %eq3A_208 = arith.cmpf oeq, %sub3A_202, %eq3A_207 : vector<128x2048xf32>
    %jit3A_209 = arith.constant 128 : i32
    %broadcast_in_dim3A_210 = vector.broadcast %jit3A_209 : i32 to vector<128x2048xi32>
    %select_n3A_211 = arith.select %eq3A_208, %iota3A_206, %broadcast_in_dim3A_210 : vector<128x2048xi1>, vector<128x2048xi32>
    %reduce_min3A_212 = arith.constant dense<2147483647> : vector<2048xi32>
    %reduce_min3A_213 = vector.multi_reduction <minsi>, %select_n3A_211, %reduce_min3A_212 [0] : vector<128x2048xi32> to vector<2048xi32>
    %broadcast_in_dim3A_214 = vector.shape_cast %reduce_min3A_213 : vector<2048xi32> to vector<1x2048xi32>
    %eq3A_215 = vector.broadcast %broadcast_in_dim3A_214 : vector<1x2048xi32> to vector<128x2048xi32>
    %eq3A_216 = arith.cmpi eq, %iota3A_206, %eq3A_215 : vector<128x2048xi32>
    %convert_element_type3A_217 = arith.extui %eq3A_216 : vector<128x2048xi1> to vector<128x2048xi32>
    %convert_element_type3A_218 = arith.sitofp %convert_element_type3A_217 : vector<128x2048xi32> to vector<128x2048xf32>
    %dot_general3A_219 = arith.constant dense<0.000000e+00> : vector<32x2048xf32>
    %dot_general3A_220 = tpu.matmul %get3A_1, %convert_element_type3A_218, %dot_general3A_219 {dimension_numbers = #tpu.dot_dimension_numbers<[0], [0], [1], [1], [0, 1, 1, 1], [], []>, transpose_lhs_hint = false} : vector<128x32xf32>, vector<128x2048xf32>, vector<32x2048xf32> -> vector<32x2048xf32>
    %swap3A_221 = arith.constant 4 : index
    %swap3A_222 = arith.constant 0 : index
    %swap3A_223 = arith.constant 0 : index
    %swap3A_224 = vector.load %arg3[%swap3A_221, %swap3A_222, %swap3A_223] : memref<8x32x2048xf32, #tpu.memory_space<vmem>>, vector<1x32x2048xf32>
    %swap3A_225 = vector.shape_cast %swap3A_224 : vector<1x32x2048xf32> to vector<32x2048xf32>
    %swap3A_226 = vector.shape_cast %dot_general3A_220 : vector<32x2048xf32> to vector<1x32x2048xf32>
    tpu.vector_store %arg3[%swap3A_221, %swap3A_222, %swap3A_223], %swap3A_226 {strides = array<i32>} : memref<8x32x2048xf32, #tpu.memory_space<vmem>>, vector<1x32x2048xf32>,
    %swap3A_227 = arith.constant 4 : index
    %swap3A_228 = arith.constant 0 : index
    %swap3A_229 = arith.constant 0 : index
    %swap3A_230 = vector.load %arg4[%swap3A_227, %swap3A_228, %swap3A_229] : memref<8x32x2048xf32, #tpu.memory_space<vmem>>, vector<1x32x2048xf32>
    %swap3A_231 = vector.shape_cast %swap3A_230 : vector<1x32x2048xf32> to vector<32x2048xf32>
    %swap3A_232 = vector.shape_cast %dot_general3A_220 : vector<32x2048xf32> to vector<1x32x2048xf32>
    tpu.vector_store %arg4[%swap3A_227, %swap3A_228, %swap3A_229], %swap3A_232 {strides = array<i32>} : memref<8x32x2048xf32, #tpu.memory_space<vmem>>, vector<1x32x2048xf32>,
    %get3A_233 = arith.constant 5 : index
    %get3A_234 = arith.constant 0 : index
    %get3A_235 = arith.constant 0 : index
    %get3A_236 = vector.load %arg2[%get3A_233, %get3A_234, %get3A_235] : memref<8x32x2048xf32, #tpu.memory_space<vmem>>, vector<1x32x2048xf32>
    %get3A_237 = vector.shape_cast %get3A_236 : vector<1x32x2048xf32> to vector<32x2048xf32>
    %dot_general3A_238 = arith.constant dense<0.000000e+00> : vector<128x2048xf32>
    %dot_general3A_239 = tpu.matmul %get3A_1, %get3A_237, %dot_general3A_238 {dimension_numbers = #tpu.dot_dimension_numbers<[1], [0], [0], [1], [0, 0, 1, 1], [], []>, transpose_lhs_hint = false} : vector<128x32xf32>, vector<32x2048xf32>, vector<128x2048xf32> -> vector<128x2048xf32>
    %mul3A_240 = arith.mulf %get3A_237, %get3A_237 : vector<32x2048xf32>
    %reduce_sum3A_241 = arith.constant dense<0.000000e+00> : vector<2048xf32>
    %reduce_sum3A_242 = vector.multi_reduction <add>, %mul3A_240, %reduce_sum3A_241 [0] : vector<32x2048xf32> to vector<2048xf32>
    %broadcast_in_dim3A_243 = vector.shape_cast %reduce_sum3A_242 : vector<2048xf32> to vector<1x2048xf32>
    %add3A_244 = vector.broadcast %broadcast_in_dim3A_243 : vector<1x2048xf32> to vector<128x2048xf32>
    %add3A_245 = vector.broadcast %broadcast_in_dim3A : vector<128x1xf32> to vector<128x2048xf32>
    %add3A_246 = arith.addf %add3A_244, %add3A_245 : vector<128x2048xf32>
    %mul3A_247 = arith.constant 2.000000e+00 : f32
    %mul3A_248 = vector.broadcast %mul3A_247 : f32 to vector<128x2048xf32>
    %mul3A_249 = arith.mulf %mul3A_248, %dot_general3A_239 : vector<128x2048xf32>
    %sub3A_250 = arith.subf %add3A_246, %mul3A_249 : vector<128x2048xf32>
    %reduce_min3A_251 = arith.constant dense<0x7F800000> : vector<2048xf32>
    %reduce_min3A_252 = vector.multi_reduction <minimumf>, %sub3A_250, %reduce_min3A_251 [0] : vector<128x2048xf32> to vector<2048xf32>
    %broadcast_in_dim3A_253 = vector.shape_cast %reduce_min3A_252 : vector<2048xf32> to vector<1x2048xf32>
    %iota3A_254 = tpu.iota {dimensions = array<i32: 0>} : vector<128x2048xi32>
    %eq3A_255 = vector.broadcast %broadcast_in_dim3A_253 : vector<1x2048xf32> to vector<128x2048xf32>
    %eq3A_256 = arith.cmpf oeq, %sub3A_250, %eq3A_255 : vector<128x2048xf32>
    %jit3A_257 = arith.constant 128 : i32
    %broadcast_in_dim3A_258 = vector.broadcast %jit3A_257 : i32 to vector<128x2048xi32>
    %select_n3A_259 = arith.select %eq3A_256, %iota3A_254, %broadcast_in_dim3A_258 : vector<128x2048xi1>, vector<128x2048xi32>
    %reduce_min3A_260 = arith.constant dense<2147483647> : vector<2048xi32>
    %reduce_min3A_261 = vector.multi_reduction <minsi>, %select_n3A_259, %reduce_min3A_260 [0] : vector<128x2048xi32> to vector<2048xi32>
    %broadcast_in_dim3A_262 = vector.shape_cast %reduce_min3A_261 : vector<2048xi32> to vector<1x2048xi32>
    %eq3A_263 = vector.broadcast %broadcast_in_dim3A_262 : vector<1x2048xi32> to vector<128x2048xi32>
    %eq3A_264 = arith.cmpi eq, %iota3A_254, %eq3A_263 : vector<128x2048xi32>
    %convert_element_type3A_265 = arith.extui %eq3A_264 : vector<128x2048xi1> to vector<128x2048xi32>
    %convert_element_type3A_266 = arith.sitofp %convert_element_type3A_265 : vector<128x2048xi32> to vector<128x2048xf32>
    %dot_general3A_267 = arith.constant dense<0.000000e+00> : vector<32x2048xf32>
    %dot_general3A_268 = tpu.matmul %get3A_1, %convert_element_type3A_266, %dot_general3A_267 {dimension_numbers = #tpu.dot_dimension_numbers<[0], [0], [1], [1], [0, 1, 1, 1], [], []>, transpose_lhs_hint = false} : vector<128x32xf32>, vector<128x2048xf32>, vector<32x2048xf32> -> vector<32x2048xf32>
    %swap3A_269 = arith.constant 5 : index
    %swap3A_270 = arith.constant 0 : index
    %swap3A_271 = arith.constant 0 : index
    %swap3A_272 = vector.load %arg3[%swap3A_269, %swap3A_270, %swap3A_271] : memref<8x32x2048xf32, #tpu.memory_space<vmem>>, vector<1x32x2048xf32>
    %swap3A_273 = vector.shape_cast %swap3A_272 : vector<1x32x2048xf32> to vector<32x2048xf32>
    %swap3A_274 = vector.shape_cast %dot_general3A_268 : vector<32x2048xf32> to vector<1x32x2048xf32>
    tpu.vector_store %arg3[%swap3A_269, %swap3A_270, %swap3A_271], %swap3A_274 {strides = array<i32>} : memref<8x32x2048xf32, #tpu.memory_space<vmem>>, vector<1x32x2048xf32>,
    %swap3A_275 = arith.constant 5 : index
    %swap3A_276 = arith.constant 0 : index
    %swap3A_277 = arith.constant 0 : index
    %swap3A_278 = vector.load %arg4[%swap3A_275, %swap3A_276, %swap3A_277] : memref<8x32x2048xf32, #tpu.memory_space<vmem>>, vector<1x32x2048xf32>
    %swap3A_279 = vector.shape_cast %swap3A_278 : vector<1x32x2048xf32> to vector<32x2048xf32>
    %swap3A_280 = vector.shape_cast %dot_general3A_268 : vector<32x2048xf32> to vector<1x32x2048xf32>
    tpu.vector_store %arg4[%swap3A_275, %swap3A_276, %swap3A_277], %swap3A_280 {strides = array<i32>} : memref<8x32x2048xf32, #tpu.memory_space<vmem>>, vector<1x32x2048xf32>,
    %get3A_281 = arith.constant 6 : index
    %get3A_282 = arith.constant 0 : index
    %get3A_283 = arith.constant 0 : index
    %get3A_284 = vector.load %arg2[%get3A_281, %get3A_282, %get3A_283] : memref<8x32x2048xf32, #tpu.memory_space<vmem>>, vector<1x32x2048xf32>
    %get3A_285 = vector.shape_cast %get3A_284 : vector<1x32x2048xf32> to vector<32x2048xf32>
    %dot_general3A_286 = arith.constant dense<0.000000e+00> : vector<128x2048xf32>
    %dot_general3A_287 = tpu.matmul %get3A_1, %get3A_285, %dot_general3A_286 {dimension_numbers = #tpu.dot_dimension_numbers<[1], [0], [0], [1], [0, 0, 1, 1], [], []>, transpose_lhs_hint = false} : vector<128x32xf32>, vector<32x2048xf32>, vector<128x2048xf32> -> vector<128x2048xf32>
    %mul3A_288 = arith.mulf %get3A_285, %get3A_285 : vector<32x2048xf32>
    %reduce_sum3A_289 = arith.constant dense<0.000000e+00> : vector<2048xf32>
    %reduce_sum3A_290 = vector.multi_reduction <add>, %mul3A_288, %reduce_sum3A_289 [0] : vector<32x2048xf32> to vector<2048xf32>
    %broadcast_in_dim3A_291 = vector.shape_cast %reduce_sum3A_290 : vector<2048xf32> to vector<1x2048xf32>
    %add3A_292 = vector.broadcast %broadcast_in_dim3A_291 : vector<1x2048xf32> to vector<128x2048xf32>
    %add3A_293 = vector.broadcast %broadcast_in_dim3A : vector<128x1xf32> to vector<128x2048xf32>
    %add3A_294 = arith.addf %add3A_292, %add3A_293 : vector<128x2048xf32>
    %mul3A_295 = arith.constant 2.000000e+00 : f32
    %mul3A_296 = vector.broadcast %mul3A_295 : f32 to vector<128x2048xf32>
    %mul3A_297 = arith.mulf %mul3A_296, %dot_general3A_287 : vector<128x2048xf32>
    %sub3A_298 = arith.subf %add3A_294, %mul3A_297 : vector<128x2048xf32>
    %reduce_min3A_299 = arith.constant dense<0x7F800000> : vector<2048xf32>
    %reduce_min3A_300 = vector.multi_reduction <minimumf>, %sub3A_298, %reduce_min3A_299 [0] : vector<128x2048xf32> to vector<2048xf32>
    %broadcast_in_dim3A_301 = vector.shape_cast %reduce_min3A_300 : vector<2048xf32> to vector<1x2048xf32>
    %iota3A_302 = tpu.iota {dimensions = array<i32: 0>} : vector<128x2048xi32>
    %eq3A_303 = vector.broadcast %broadcast_in_dim3A_301 : vector<1x2048xf32> to vector<128x2048xf32>
    %eq3A_304 = arith.cmpf oeq, %sub3A_298, %eq3A_303 : vector<128x2048xf32>
    %jit3A_305 = arith.constant 128 : i32
    %broadcast_in_dim3A_306 = vector.broadcast %jit3A_305 : i32 to vector<128x2048xi32>
    %select_n3A_307 = arith.select %eq3A_304, %iota3A_302, %broadcast_in_dim3A_306 : vector<128x2048xi1>, vector<128x2048xi32>
    %reduce_min3A_308 = arith.constant dense<2147483647> : vector<2048xi32>
    %reduce_min3A_309 = vector.multi_reduction <minsi>, %select_n3A_307, %reduce_min3A_308 [0] : vector<128x2048xi32> to vector<2048xi32>
    %broadcast_in_dim3A_310 = vector.shape_cast %reduce_min3A_309 : vector<2048xi32> to vector<1x2048xi32>
    %eq3A_311 = vector.broadcast %broadcast_in_dim3A_310 : vector<1x2048xi32> to vector<128x2048xi32>
    %eq3A_312 = arith.cmpi eq, %iota3A_302, %eq3A_311 : vector<128x2048xi32>
    %convert_element_type3A_313 = arith.extui %eq3A_312 : vector<128x2048xi1> to vector<128x2048xi32>
    %convert_element_type3A_314 = arith.sitofp %convert_element_type3A_313 : vector<128x2048xi32> to vector<128x2048xf32>
    %dot_general3A_315 = arith.constant dense<0.000000e+00> : vector<32x2048xf32>
    %dot_general3A_316 = tpu.matmul %get3A_1, %convert_element_type3A_314, %dot_general3A_315 {dimension_numbers = #tpu.dot_dimension_numbers<[0], [0], [1], [1], [0, 1, 1, 1], [], []>, transpose_lhs_hint = false} : vector<128x32xf32>, vector<128x2048xf32>, vector<32x2048xf32> -> vector<32x2048xf32>
    %swap3A_317 = arith.constant 6 : index
    %swap3A_318 = arith.constant 0 : index
    %swap3A_319 = arith.constant 0 : index
    %swap3A_320 = vector.load %arg3[%swap3A_317, %swap3A_318, %swap3A_319] : memref<8x32x2048xf32, #tpu.memory_space<vmem>>, vector<1x32x2048xf32>
    %swap3A_321 = vector.shape_cast %swap3A_320 : vector<1x32x2048xf32> to vector<32x2048xf32>
    %swap3A_322 = vector.shape_cast %dot_general3A_316 : vector<32x2048xf32> to vector<1x32x2048xf32>
    tpu.vector_store %arg3[%swap3A_317, %swap3A_318, %swap3A_319], %swap3A_322 {strides = array<i32>} : memref<8x32x2048xf32, #tpu.memory_space<vmem>>, vector<1x32x2048xf32>,
    %swap3A_323 = arith.constant 6 : index
    %swap3A_324 = arith.constant 0 : index
    %swap3A_325 = arith.constant 0 : index
    %swap3A_326 = vector.load %arg4[%swap3A_323, %swap3A_324, %swap3A_325] : memref<8x32x2048xf32, #tpu.memory_space<vmem>>, vector<1x32x2048xf32>
    %swap3A_327 = vector.shape_cast %swap3A_326 : vector<1x32x2048xf32> to vector<32x2048xf32>
    %swap3A_328 = vector.shape_cast %dot_general3A_316 : vector<32x2048xf32> to vector<1x32x2048xf32>
    tpu.vector_store %arg4[%swap3A_323, %swap3A_324, %swap3A_325], %swap3A_328 {strides = array<i32>} : memref<8x32x2048xf32, #tpu.memory_space<vmem>>, vector<1x32x2048xf32>,
    %get3A_329 = arith.constant 7 : index
    %get3A_330 = arith.constant 0 : index
    %get3A_331 = arith.constant 0 : index
    %get3A_332 = vector.load %arg2[%get3A_329, %get3A_330, %get3A_331] : memref<8x32x2048xf32, #tpu.memory_space<vmem>>, vector<1x32x2048xf32>
    %get3A_333 = vector.shape_cast %get3A_332 : vector<1x32x2048xf32> to vector<32x2048xf32>
    %dot_general3A_334 = arith.constant dense<0.000000e+00> : vector<128x2048xf32>
    %dot_general3A_335 = tpu.matmul %get3A_1, %get3A_333, %dot_general3A_334 {dimension_numbers = #tpu.dot_dimension_numbers<[1], [0], [0], [1], [0, 0, 1, 1], [], []>, transpose_lhs_hint = false} : vector<128x32xf32>, vector<32x2048xf32>, vector<128x2048xf32> -> vector<128x2048xf32>
    %mul3A_336 = arith.mulf %get3A_333, %get3A_333 : vector<32x2048xf32>
    %reduce_sum3A_337 = arith.constant dense<0.000000e+00> : vector<2048xf32>
    %reduce_sum3A_338 = vector.multi_reduction <add>, %mul3A_336, %reduce_sum3A_337 [0] : vector<32x2048xf32> to vector<2048xf32>
    %broadcast_in_dim3A_339 = vector.shape_cast %reduce_sum3A_338 : vector<2048xf32> to vector<1x2048xf32>
    %add3A_340 = vector.broadcast %broadcast_in_dim3A_339 : vector<1x2048xf32> to vector<128x2048xf32>
    %add3A_341 = vector.broadcast %broadcast_in_dim3A : vector<128x1xf32> to vector<128x2048xf32>
    %add3A_342 = arith.addf %add3A_340, %add3A_341 : vector<128x2048xf32>
    %mul3A_343 = arith.constant 2.000000e+00 : f32
    %mul3A_344 = vector.broadcast %mul3A_343 : f32 to vector<128x2048xf32>
    %mul3A_345 = arith.mulf %mul3A_344, %dot_general3A_335 : vector<128x2048xf32>
    %sub3A_346 = arith.subf %add3A_342, %mul3A_345 : vector<128x2048xf32>
    %reduce_min3A_347 = arith.constant dense<0x7F800000> : vector<2048xf32>
    %reduce_min3A_348 = vector.multi_reduction <minimumf>, %sub3A_346, %reduce_min3A_347 [0] : vector<128x2048xf32> to vector<2048xf32>
    %broadcast_in_dim3A_349 = vector.shape_cast %reduce_min3A_348 : vector<2048xf32> to vector<1x2048xf32>
    %iota3A_350 = tpu.iota {dimensions = array<i32: 0>} : vector<128x2048xi32>
    %eq3A_351 = vector.broadcast %broadcast_in_dim3A_349 : vector<1x2048xf32> to vector<128x2048xf32>
    %eq3A_352 = arith.cmpf oeq, %sub3A_346, %eq3A_351 : vector<128x2048xf32>
    %jit3A_353 = arith.constant 128 : i32
    %broadcast_in_dim3A_354 = vector.broadcast %jit3A_353 : i32 to vector<128x2048xi32>
    %select_n3A_355 = arith.select %eq3A_352, %iota3A_350, %broadcast_in_dim3A_354 : vector<128x2048xi1>, vector<128x2048xi32>
    %reduce_min3A_356 = arith.constant dense<2147483647> : vector<2048xi32>
    %reduce_min3A_357 = vector.multi_reduction <minsi>, %select_n3A_355, %reduce_min3A_356 [0] : vector<128x2048xi32> to vector<2048xi32>
    %broadcast_in_dim3A_358 = vector.shape_cast %reduce_min3A_357 : vector<2048xi32> to vector<1x2048xi32>
    %eq3A_359 = vector.broadcast %broadcast_in_dim3A_358 : vector<1x2048xi32> to vector<128x2048xi32>
    %eq3A_360 = arith.cmpi eq, %iota3A_350, %eq3A_359 : vector<128x2048xi32>
    %convert_element_type3A_361 = arith.extui %eq3A_360 : vector<128x2048xi1> to vector<128x2048xi32>
    %convert_element_type3A_362 = arith.sitofp %convert_element_type3A_361 : vector<128x2048xi32> to vector<128x2048xf32>
    %dot_general3A_363 = arith.constant dense<0.000000e+00> : vector<32x2048xf32>
    %dot_general3A_364 = tpu.matmul %get3A_1, %convert_element_type3A_362, %dot_general3A_363 {dimension_numbers = #tpu.dot_dimension_numbers<[0], [0], [1], [1], [0, 1, 1, 1], [], []>, transpose_lhs_hint = false} : vector<128x32xf32>, vector<128x2048xf32>, vector<32x2048xf32> -> vector<32x2048xf32>
    %swap3A_365 = arith.constant 7 : index
    %swap3A_366 = arith.constant 0 : index
    %swap3A_367 = arith.constant 0 : index
    %swap3A_368 = vector.load %arg3[%swap3A_365, %swap3A_366, %swap3A_367] : memref<8x32x2048xf32, #tpu.memory_space<vmem>>, vector<1x32x2048xf32>
    %swap3A_369 = vector.shape_cast %swap3A_368 : vector<1x32x2048xf32> to vector<32x2048xf32>
    %swap3A_370 = vector.shape_cast %dot_general3A_364 : vector<32x2048xf32> to vector<1x32x2048xf32>
    tpu.vector_store %arg3[%swap3A_365, %swap3A_366, %swap3A_367], %swap3A_370 {strides = array<i32>} : memref<8x32x2048xf32, #tpu.memory_space<vmem>>, vector<1x32x2048xf32>,
    %swap3A_371 = arith.constant 7 : index
    %swap3A_372 = arith.constant 0 : index
    %swap3A_373 = arith.constant 0 : index
    %swap3A_374 = vector.load %arg4[%swap3A_371, %swap3A_372, %swap3A_373] : memref<8x32x2048xf32, #tpu.memory_space<vmem>>, vector<1x32x2048xf32>
    %swap3A_375 = vector.shape_cast %swap3A_374 : vector<1x32x2048xf32> to vector<32x2048xf32>
    %swap3A_376 = vector.shape_cast %dot_general3A_364 : vector<32x2048xf32> to vector<1x32x2048xf32>
    tpu.vector_store %arg4[%swap3A_371, %swap3A_372, %swap3A_373], %swap3A_376 {strides = array<i32>} : memref<8x32x2048xf32, #tpu.memory_space<vmem>>, vector<1x32x2048xf32>,
    return
  }
  func.func @transform_0(%arg0: i32) -> (i32, i32) {
    %c0_i32 = arith.constant 0 : i32
    %c0_i32_0 = arith.constant 0 : i32
    %c0_i32_1 = arith.constant 0 : i32
    return %c0_i32, %c0_i32_0 : i32, i32
  }
  func.func @transform_1(%arg0: i32) -> (i32, i32, i32) {
    %c0_i32 = arith.constant 0 : i32
    %c0_i32_0 = arith.constant 0 : i32
    %c0_i32_1 = arith.constant 0 : i32
    return %c0_i32, %c0_i32_0, %arg0 : i32, i32, i32
  }
  func.func @transform_2(%arg0: i32) -> (i32, i32, i32) {
    %c0_i32 = arith.constant 0 : i32
    %c0_i32_0 = arith.constant 0 : i32
    %c0_i32_1 = arith.constant 0 : i32
    return %c0_i32, %c0_i32_0, %arg0 : i32, i32, i32
  }
  func.func @transform_3(%arg0: i32) -> (i32, i32, i32) {
    %c0_i32 = arith.constant 0 : i32
    %c0_i32_0 = arith.constant 0 : i32
    %c0_i32_1 = arith.constant 0 : i32
    return %c0_i32, %c0_i32_0, %arg0 : i32, i32, i32
  }
}

</mosaic_0001>

<sc_bundles>
// kernel: kernel.4.cloned.1.call-start
scs
__scs_entry_jumppad:
0x0: {  	(pc) =	sbr.rel $0x88, $3  }
0x1: {  	(tag) =	ssettag $0x0;
	lr =	simm.s32 $0x1  }
0x2: {  	[smem:$0x3F9F] =	sst lr;
	_ =	strace $0xD0000000  }
0x3: {  	_ = 	snop  }
0x4: {  	_ = 	snop  }
0x5: {  	_ = 	snop  }
0x6: {  	_ = 	snop  }
0x7: {  	_ = 	snop  }
__scs_overlays_trampoline_lowered:
0x8: {  	[smem:$0x3FAE] =	sst s0  }
0x9: {  	[smem:$0x3FAF] =	sst s1  }
0xa: {  	[smem:$0x3FB0] =	sst s2  }
0xb: {  	[smem:$0x3FB1] =	sst s3  }
0xc: {  	[smem:$0x3FB2] =	sst s4  }
0xd: {  	[smem:$0x3FB3] =	sst s5  }
0xe: {  	[smem:$0x3FB4] =	sst s6  }
0xf: {  	[smem:$0x3FB5] =	sst s7  }
0x10: {  	[smem:$0x3FB6] =	sst s8  }
0x11: {  	[smem:$0x3FB7] =	sst s9;
	s0 =	simm.s32 @!p0 $0x0  }
0x12: {  	s1 =	sld [smem:$0x3F9D];
	s0 =	simm.s32 @p0 $0x1  }
0x13: {  	[smem:$0x3FB8] =	sst s0;
	s0 =	simm.s32 @!p1 $0x0  }
0x14: {  	s2 =	sld [smem:$0x3F9C];
	s0 =	simm.s32 @p1 $0x1  }
0x15: {  	[smem:$0x3FB9] =	sst s0;
	s0 =	simm.s32 @!p2 $0x0  }
0x16: {  	s3 =	sld [smem:$0x3FDB];
	s0 =	simm.s32 @p2 $0x1  }
0x17: {  	s4 =	simm.s32 $0x1BF5;
	[smem:$0x3FBB] =	sst s0  }
0x18: {  	s0 =	sld [smem:$0x3F9E];
	_ =	swait.ge [sflag:s4], $0x0  }
0x19: {  	s7 =	sld [smem:$0x3F9F]  }
0x1a: {  	s8 =	sadd.s32 $0xFFFFE003, lr  }
0x1b: {  	s9 =	sadd.s32 $0xFFFFFEF7, lr;
	s5 =	simm.s32 $0xFFFFFFFF;
	p2 =	slt.u32 s8, $0xFFFFF086  }
0x1c: {  	p1 =	slt.u32 s9, $0xF7A;
	s5 =	simm.s32 @!p2 $0x0  }
0x1d: {  	s5 =	simm.s32 @p1 $0x1;
	p0 =	seq.s32 s7, s2  }
0x1e: {  	s7 =	smul.u32 @!p0 $0xF7A, s2;
	p2 =	seq.s32 @!p0 s5, $0x0  }
0x1f: {  	s9 =	smul.u32 $0xF7A, s1;
	s8 =	simm.s32 @!p0 $0x1BF5;
	p2 =	por !p2, p0  }
0x20: {  	[sflag:s8] =	ssyncset.s32 @!p0 $0xFFFFF086;
	s6 =	sadd.s32 @!p0 s3, s7;
	s7 =	simm.s32 @!p0 $0x108  }
0x21: {  	s3 =	sadd.s32 s3, s9;
	s6 =	sadd.s32 @!p0 $0x88, s6;
	s7 =	simm.s32 @p2 $0x1082  }
0x22: {  	[simem:s7], [sflag:s8] =	dma.local @!p0 [hbm:s6], $0xF7A  }
0x23: {  	s9 =	sor.u32 $0xD0000000, s2;
	s6 =	simm.s32 $0x108;
	_ =	swait.ge @!p0 [sflag:s8], $0x0  }
0x24: {  	s3 =	sadd.s32 $0x88, s3;
	s6 =	simm.s32 @!p1 $0x1082;
	[sflag:s4] =	ssyncset.s32 $0xFFFFF086  }
0x25: {  	[simem:s6], [sflag:s4] =	dma.local [hbm:s3], $0xF7A  }
0x26: {  	[smem:$0x3F9F] =	sst s1;
	(tag) =	ssettag s2;
	_ =	strace s9  }
0x27: {  	s1 =	sld [smem:$0x3FAF]  }
0x28: {  	s2 =	sld [smem:$0x3FB0]  }
0x29: {  	s4 =	sld [smem:$0x3FB2]  }
0x2a: {  	p0 =	seq.s32 s5, $0x0;
	s5 =	sld [smem:$0x3FB3]  }
0x2b: {  	s6 =	sld [smem:$0x3FB4]  }
0x2c: {  	s7 =	sld [smem:$0x3FB5]  }
0x2d: {  	s3 =	simm.s32 $0x108;
	s8 =	sld [smem:$0x3FB6]  }
0x2e: {  	s3 =	simm.s32 @!p0 $0x1082;
	s9 =	sld [smem:$0x3FB7]  }
0x2f: {  	lr =	sadd.s32 s0, s3;
	s0 =	sld [smem:$0x3FAE]  }
0x30: {  	s3 =	sld [smem:$0x3FB1]  }
0x31: {  	[smem:$0x3FBA] =	sst s10  }
0x32: {  	s10 =	sld [smem:$0x3FB8];
	_ =	sdelay $0x3  }
0x33: {  	p0 =	seq.s32 s10, $0x1;
	s10 =	sld [smem:$0x3FBA];
	_ =	sdelay $0x3  }
0x34: {  	[smem:$0x3FBA] =	sst s10  }
0x35: {  	s10 =	sld [smem:$0x3FB9];
	_ =	sdelay $0x3  }
0x36: {  	p1 =	seq.s32 s10, $0x1;
	s10 =	sld [smem:$0x3FBA];
	_ =	sdelay $0x3  }
0x37: {  	[smem:$0x3FBA] =	sst s10  }
0x38: {  	s10 =	sld [smem:$0x3FBB]  }
0x39: {  	_ = 	snop;
	(pc) =	sbr.ind lr, $3  }
0x3a: {  	_ = 	snop  }
0x3b: {  	_ = 	snop  }
0x3c: {  	p2 =	seq.s32 s10, $0x1;
	s10 =	sld [smem:$0x3FBA]  }
0x3d: {  	_ =	shalt  }
0x3e: {  	_ =	shalt  }
0x3f: {  	_ =	shalt  }
0x40: {  	_ =	shalt  }
0x41: {  	_ =	shalt  }
0x42: {  	_ =	shalt  }
0x43: {  	_ =	shalt  }
0x44: {  	_ =	shalt  }
0x45: {  	_ =	shalt  }
0x46: {  	_ =	shalt  }
0x47: {  	_ =	shalt  }
0x48: {  	_ =	shalt  }
0x49: {  	_ =	shalt  }
0x4a: {  	_ =	shalt  }
0x4b: {  	_ =	shalt  }
0x4c: {  	_ =	shalt  }
0x4d: {  	_ =	shalt  }
0x4e: {  	_ =	shalt  }
0x4f: {  	_ =	shalt  }
0x50: {  	_ =	shalt  }
0x51: {  	_ =	shalt  }
0x52: {  	_ =	shalt  }
0x53: {  	_ =	shalt  }
0x54: {  	_ =	shalt  }
0x55: {  	_ =	shalt  }
0x56: {  	_ =	shalt  }
0x57: {  	_ =	shalt  }
0x58: {  	_ =	shalt  }
0x59: {  	_ =	shalt  }
0x5a: {  	_ =	shalt  }
0x5b: {  	_ =	shalt  }
0x5c: {  	_ =	shalt  }
0x5d: {  	_ =	shalt  }
0x5e: {  	_ =	shalt  }
0x5f: {  	_ =	shalt  }
0x60: {  	_ =	shalt  }
0x61: {  	_ =	shalt  }
0x62: {  	_ =	shalt  }
0x63: {  	_ =	shalt  }
0x64: {  	_ =	shalt  }
0x65: {  	_ =	shalt  }
0x66: {  	_ =	shalt  }
0x67: {  	_ =	shalt  }
0x68: {  	_ =	shalt  }
0x69: {  	_ =	shalt  }
0x6a: {  	_ =	shalt  }
0x6b: {  	_ =	shalt  }
0x6c: {  	_ =	shalt  }
0x6d: {  	_ =	shalt  }
0x6e: {  	_ =	shalt  }
0x6f: {  	_ =	shalt  }
0x70: {  	_ =	shalt  }
0x71: {  	_ =	shalt  }
0x72: {  	_ =	shalt  }
0x73: {  	_ =	shalt  }
0x74: {  	_ =	shalt  }
0x75: {  	_ =	shalt  }
0x76: {  	_ =	shalt  }
0x77: {  	_ =	shalt  }
0x78: {  	_ =	shalt  }
0x79: {  	_ =	shalt  }
0x7a: {  	_ =	shalt  }
0x7b: {  	_ =	shalt  }
0x7c: {  	_ =	shalt  }
0x7d: {  	_ =	shalt  }
0x7e: {  	_ =	shalt  }
0x7f: {  	_ =	shalt  }
0x80: {  	_ =	shalt  }
0x81: {  	_ =	shalt  }
0x82: {  	_ =	shalt  }
0x83: {  	_ =	shalt  }
0x84: {  	_ =	shalt  }
0x85: {  	_ =	shalt  }
0x86: {  	_ =	shalt  }
0x87: {  	_ =	shalt  }
.Lfunc_end0:
.L_simem_size_0:
called_computation_lowered:
.L_overlay_start_0:
0x88: {  	s2 =	sld [smem:$0x3FD9]  }
0x89: {  	s3 =	sld [smem:$0x3FFE];
	_ =	sdelay $0x1  }
0x8a: {  	s1 =	srdreg.scid  }
0x8b: {  	s0 =	sand.u32 $0x1, s1  }
0x8c: {  	s15 =	sshll.u32 s0, $0xA;
	s2 =	sadd.s32 s3, s2  }
0x8d: {  	s2 =	sadd.s32 s2, s15  }
0x8e: {  	[smem:$0x3FC6] =	sst s2  }
0x8f: {  	_ = 	snop  }
0x90: {  	s2 =	sld [smem:$0x3FD0];
	_ =	sdelay $0x2  }
0x91: {  	s4 =	simm.s32 $0xA;
	s5 =	simm.s32 $0x10;
	s16 =	sld [smem:$0x3FC8]  }
0x92: {  	[smem:s5], [sflag:s4] =	dma.local [hbm:s2], $0x1  }
0x93: {  	_ =	swait.eq [sflag:s4], $0x1  }
0x94: {  	[sflag:s4] =	ssyncset.done $0x0  }
0x95: {  	[sflag:s4] =	ssyncadd.s32 $0xFFFFFFFF  }
0x96: {  	s17 =	sld [smem:$0x12];
	(tm) =	ssettm $0x1  }
0x97: {  	s18 =	sld [smem:$0x3FFB];
	_ =	sdelay $0x3  }
0x98: {  	_ =	strace s18  }
0x99: {  	s4 =	sld [smem:$0x3FFC];
	_ =	sdelay $0x3  }
0x9a: {  	_ =	strace s4  }
0x9b: {  	s4 =	sld [smem:$0x3FFD];
	_ =	sdelay $0x3  }
0x9c: {  	_ =	strace s4  }
0x9d: {  	_ =	strace $0x8FFFFFFF  }
0x9e: {  	s19 =	sld [smem:$0x3FDB];
	_ =	sdelay $0x1  }
0x9f: {  	s20 =	simm.s32 $_scs_section_size  }
0xa0: {  	s6 =	simm.s32 $_size__tile_overlayer_lowered;
	s7 =	simm.s32 $_tile_overlayer_lowered  }
0xa1: {  	s23 =	simm.s32 $0x1BFF;
	s22 =	sshll.u32 s7, $0x1;
	s4 =	sadd.s32 s20, s19  }
0xa2: {  	s8 =	simm.s32 $0x0;
	s21 =	sshll.u32 s6, $0x1;
	s6 =	sadd.s32 s22, s4  }
0xa3: {  	[timem:s8], [sflag:s23] =	dma.local [hbm:s6], s21  }
0xa4: {  	_ =	swait.ge [sflag:s23], s21  }
0xa5: {  	s5 =	ssub.s32 $0x0, s21;
	[sflag:s23] =	ssyncset.done $0x0  }
0xa6: {  	[sflag:s23] =	ssyncadd.s32 s5;
	_ =	sdelay $0x1  }
0xa7: {  	s24 =	simm.s32 $0x1B8B  }
0xa8: {  	_ =	swait.ge [sflag:s24], $0x1  }
0xa9: {  	[sflag:s24] =	ssyncset.done $0x0  }
0xaa: {  	s25 =	simm.s32 $0x1B8E;
	[sflag:s24] =	ssyncadd.s32 $0xFFFFFFFF  }
0xab: {  	s26 =	simm.s32 $execute0_lowered;
	[smem:$0x3FD2] =	sst s25  }
0xac: {  	s5 =	sshll.u32 s26, $0x1;
	_ =	strace $0x80000046;
	[dreg:$0x1] =	wrdreg $0xFFFFFFFF  }
0xad: {  	s28 =	simm.s32 $_size_execute0_lowered;
	s4 =	sadd.s32 s4, s5;
	[dreg:$0x0] =	wrdreg $0x0  }
0xae: {  	s5 =	sshll.u32 s28, $0x1;
	[dreg:$0x2] =	wrdreg s4  }
0xaf: {  	[dreg:$0x3] =	wrdreg s5  }
0xb0: {  	[dreg:$0x4] =	wrdreg $0xC0  }
0xb1: {  	_ =	task [dreg:s8], $0x5FFFF  }
0xb2: {  	[dreg:$0x1] =	wrdreg $0xFFFFFFFF  }
0xb3: {  	[dreg:$0x0] =	wrdreg $0x60  }
0xb4: {  	[dreg:$0x2] =	wrdreg s16  }
0xb5: {  	[dreg:$0x3] =	wrdreg s17  }
0xb6: {  	[dreg:$0x4] =	wrdreg $0x9  }
0xb7: {  	_ =	task.clear_ibuf [dreg:s8], $0x5FFFF;
	_ =	strace $0x90000046  }
0xb8: {  	s29 =	simm.s32 $0x9;
	_ =	strace $0x80000048  }
0xb9: {  	_ =	swait.ge [sflag:s29], $0x1  }
0xba: {  	[sflag:s29] =	ssyncadd.s32 $0xFFFFFFFF  }
0xbb: {  	_ =	strace $0x90000048  }
0xbc: {  	_ =	sfence  }
0xbd: {  	s30 =	sld [smem:$0x0];
	_ =	sdelay $0x2  }
0xbe: {  	s31 =	sshll.u32 s1, $0xD;
	s1 =	sshrl.u32 s1, $0x2  }
0xbf: {  	s3 =	sand.u32 $0x4000, s31;
	s1 =	sadd.s32 s1, s30  }
0xc0: {  	s0 =	sor.u32 s3, s0;
	s1 =	sshll.u32 s1, $0x11  }
0xc1: {  	s0 =	sor.u32 s1, s0  }
0xc2: {  	s0 =	sadd.s32 $0x8F2B, s0  }
0xc3: {  	[sflag:s0] =	ssyncadd.remote.s32 $0x1  }
0xc4: {  	_ =	sfence.sel $0xFFFF  }
0xc5: {  	[dreg:$0x0] =	wrdreg $0xFFFFFFFF;
	(pc) =	sbr.abs _section_cstart, $3  }
0xc6: {  	[dreg:$0x1] =	wrdreg $0xFFFFFFFF  }
0xc7: {  	_ =	task.clear_ibuf [dreg:s8], $0x2FFFF;
	_ =	strace $0x9FFFFFFF  }
0xc8: {  	(tm) =	ssettm $0x7FFFFFFF  }
0xc9: {  	_ =	shalt  }
tec
execute0_lowered:
.L_overlay_start_1:
0x0: {  	(tag) =	ssettag $0x1  }
0x1: {  	s1 =	srdreg.scid;
	s2 =	rddreg [dreg:$0x0]  }
0x2: {  	s0 =	stileid.u32;
	s3 =	simm.s32 $0x0;
	s1 =	sand.u32 $0x1, s1  }
0x3: {  	s5 =	sshll.u32 s0, $0x13;
	[smem:$0x7FF] =	sst s3;
	s6 =	sshll.u32 s1, $0x12  }
0x4: {  	s4 =	rddreg [dreg:$0x1];
	_ =	strace $0x80000047;
	s5 =	sor.u32 s6, s5  }
0x5: {  	[tilespmem:s3], [sflag:$0x1] =	stream.linear.gather [hbm4b:s2+s3], $0x1000, $0x38;
	[tilespmem:$0x10000] =	vst v63  }
0x6: {  	s4 =	sadd.s32 s4, s5  }
0x7: {  	s26 =	simm.s32 $0x1000;
	s5 =	sadd.s32 $0x2000, s4  }
0x8: {  	[tilespmem:s26], [sflag:$0x1] =	stream.linear.gather [hbm4b:s2+s3], $0x1000, $0x38;
	[tilespmem:$0x10000] =	vst v63  }
0x9: {  	s19 =	sadd.s32 $0x4000, s4;
	[dreg:$0x3] =	wrdreg s5  }
0xa: {  	s20 =	sadd.s32 $0x6000, s4;
	[dreg:$0x4] =	wrdreg s19  }
0xb: {  	s21 =	sadd.s32 $0x8000, s4;
	[dreg:$0x5] =	wrdreg s20  }
0xc: {  	s22 =	sadd.s32 $0xA000, s4;
	[dreg:$0x6] =	wrdreg s21  }
0xd: {  	s23 =	sadd.s32 $0xC000, s4;
	[dreg:$0x7] =	wrdreg s22  }
0xe: {  	s24 =	sadd.s32 $0xE000, s4;
	[dreg:$0x8] =	wrdreg s23  }
0xf: {  	s25 =	sadd.s32 $0x10000, s4;
	[dreg:$0x9] =	wrdreg s24  }
0x10: {  	s6 =	simm.s32 $0x2000;
	s7 =	sadd.s32 $0x12000, s4;
	[dreg:$0xa] =	wrdreg s25  }
0x11: {  	[tilespmem:s6], [sflag:$0x1] =	stream.linear.gather [hbm4b:s2+s3], $0x1000, $0x38;
	[tilespmem:$0x10000] =	vst v63  }
0x12: {  	s8 =	sadd.s32 $0x14000, s4;
	[dreg:$0xb] =	wrdreg s7;
	s7 =	simm.s32 $0x3000  }
0x13: {  	[tilespmem:s7], [sflag:$0x1] =	stream.linear.gather [hbm4b:s2+s3], $0x1000, $0x38;
	[tilespmem:$0x10000] =	vst v63  }
0x14: {  	s9 =	sadd.s32 $0x16000, s4;
	[dreg:$0xc] =	wrdreg s8;
	s8 =	simm.s32 $0x4000  }
0x15: {  	[tilespmem:s8], [sflag:$0x1] =	stream.linear.gather [hbm4b:s2+s3], $0x1000, $0x38;
	[tilespmem:$0x10000] =	vst v63  }
0x16: {  	s10 =	sadd.s32 $0x18000, s4;
	[dreg:$0xd] =	wrdreg s9;
	s9 =	simm.s32 $0x5000  }
0x17: {  	[tilespmem:s9], [sflag:$0x1] =	stream.linear.gather [hbm4b:s2+s3], $0x1000, $0x38;
	[tilespmem:$0x10000] =	vst v63  }
0x18: {  	s11 =	sadd.s32 $0x1A000, s4;
	[dreg:$0xe] =	wrdreg s10;
	s10 =	simm.s32 $0x6000  }
0x19: {  	[tilespmem:s10], [sflag:$0x1] =	stream.linear.gather [hbm4b:s2+s3], $0x1000, $0x38;
	[tilespmem:$0x10000] =	vst v63  }
0x1a: {  	s12 =	sadd.s32 $0x1C000, s4;
	[dreg:$0xf] =	wrdreg s11;
	s11 =	simm.s32 $0x7000  }
0x1b: {  	[tilespmem:s11], [sflag:$0x1] =	stream.linear.gather [hbm4b:s2+s3], $0x1000, $0x38;
	[tilespmem:$0x10000] =	vst v63  }
0x1c: {  	s13 =	sadd.s32 $0x1E000, s4;
	[dreg:$0x10] =	wrdreg s12;
	s12 =	simm.s32 $0x8000  }
0x1d: {  	[tilespmem:s12], [sflag:$0x1] =	stream.linear.gather [hbm4b:s2+s3], $0x1000, $0x38;
	[tilespmem:$0x10000] =	vst v63  }
0x1e: {  	s14 =	sadd.s32 $0x20000, s4;
	[dreg:$0x11] =	wrdreg s13;
	s13 =	simm.s32 $0x9000  }
0x1f: {  	[tilespmem:s13], [sflag:$0x1] =	stream.linear.gather [hbm4b:s2+s3], $0x1000, $0x38;
	[tilespmem:$0x10000] =	vst v63  }
0x20: {  	s15 =	sadd.s32 $0x22000, s4;
	[dreg:$0x12] =	wrdreg s14;
	s14 =	simm.s32 $0xA000  }
0x21: {  	[tilespmem:s14], [sflag:$0x1] =	stream.linear.gather [hbm4b:s2+s3], $0x1000, $0x38;
	[tilespmem:$0x10000] =	vst v63  }
0x22: {  	s16 =	sadd.s32 $0x24000, s4;
	[dreg:$0x13] =	wrdreg s15;
	s15 =	simm.s32 $0xB000  }
0x23: {  	[tilespmem:s15], [sflag:$0x1] =	stream.linear.gather [hbm4b:s2+s3], $0x1000, $0x38;
	[tilespmem:$0x10000] =	vst v63  }
0x24: {  	s17 =	sadd.s32 $0x26000, s4;
	[dreg:$0x14] =	wrdreg s16;
	s16 =	simm.s32 $0xC000  }
0x25: {  	[tilespmem:s16], [sflag:$0x1] =	stream.linear.gather [hbm4b:s2+s3], $0x1000, $0x38;
	[tilespmem:$0x10000] =	vst v63  }
0x26: {  	s18 =	sadd.s32 $0x28000, s4;
	[dreg:$0x15] =	wrdreg s17;
	s17 =	simm.s32 $0xD000  }
0x27: {  	[tilespmem:s17], [sflag:$0x1] =	stream.linear.gather [hbm4b:s2+s3], $0x1000, $0x38;
	[tilespmem:$0x10000] =	vst v63  }
0x28: {  	[dreg:$0x16] =	wrdreg s18;
	s19 =	sadd.s32 $0x2A000, s4;
	s18 =	simm.s32 $0xE000  }
0x29: {  	[tilespmem:s18], [sflag:$0x1] =	stream.linear.gather [hbm4b:s2+s3], $0x1000, $0x38;
	[tilespmem:$0x10000] =	vst v63  }
0x2a: {  	s20 =	simm.s32 $0xF000;
	[dreg:$0x17] =	wrdreg s19;
	s19 =	simm.s32 $0x1  }
0x2b: {  	[tilespmem:s20], [sflag:$0x1] =	stream.linear.gather [hbm4b:s2+s3], $0x1000, $0x38;
	[tilespmem:$0x10000] =	vst v63  }
0x2c: {  	_ =	swait.ge [sflag:s19], $0x1000  }
0x2d: {  	[sflag:s19] =	ssyncset.done $0x0  }
0x2e: {  	[sflag:s19] =	ssyncadd.s32 $0xFFFFF000  }
0x2f: {  	_ =	swait.ge [sflag:s19], $0x1000  }
0x30: {  	[sflag:s19] =	ssyncset.done $0x0  }
0x31: {  	[sflag:s19] =	ssyncadd.s32 $0xFFFFF000  }
0x32: {  	_ =	swait.ge [sflag:s19], $0x1000  }
0x33: {  	[sflag:s19] =	ssyncset.done $0x0  }
0x34: {  	[sflag:s19] =	ssyncadd.s32 $0xFFFFF000  }
0x35: {  	_ =	swait.ge [sflag:s19], $0x1000  }
0x36: {  	[sflag:s19] =	ssyncset.done $0x0  }
0x37: {  	[sflag:s19] =	ssyncadd.s32 $0xFFFFF000  }
0x38: {  	_ =	swait.ge [sflag:s19], $0x1000  }
0x39: {  	[sflag:s19] =	ssyncset.done $0x0  }
0x3a: {  	[sflag:s19] =	ssyncadd.s32 $0xFFFFF000  }
0x3b: {  	_ =	swait.ge [sflag:s19], $0x1000  }
0x3c: {  	[sflag:s19] =	ssyncset.done $0x0  }
0x3d: {  	[sflag:s19] =	ssyncadd.s32 $0xFFFFF000  }
0x3e: {  	_ =	swait.ge [sflag:s19], $0x1000  }
0x3f: {  	[sflag:s19] =	ssyncset.done $0x0  }
0x40: {  	[sflag:s19] =	ssyncadd.s32 $0xFFFFF000  }
0x41: {  	_ =	swait.ge [sflag:s19], $0x1000  }
0x42: {  	[sflag:s19] =	ssyncset.done $0x0  }
0x43: {  	[sflag:s19] =	ssyncadd.s32 $0xFFFFF000  }
0x44: {  	_ =	swait.ge [sflag:s19], $0x1000  }
0x45: {  	[sflag:s19] =	ssyncset.done $0x0  }
0x46: {  	[sflag:s19] =	ssyncadd.s32 $0xFFFFF000  }
0x47: {  	_ =	swait.ge [sflag:s19], $0x1000  }
0x48: {  	[sflag:s19] =	ssyncset.done $0x0  }
0x49: {  	[sflag:s19] =	ssyncadd.s32 $0xFFFFF000  }
0x4a: {  	_ =	swait.ge [sflag:s19], $0x1000  }
0x4b: {  	[sflag:s19] =	ssyncset.done $0x0  }
0x4c: {  	[sflag:s19] =	ssyncadd.s32 $0xFFFFF000  }
0x4d: {  	_ =	swait.ge [sflag:s19], $0x1000  }
0x4e: {  	[sflag:s19] =	ssyncset.done $0x0  }
0x4f: {  	[sflag:s19] =	ssyncadd.s32 $0xFFFFF000  }
0x50: {  	_ =	swait.ge [sflag:s19], $0x1000  }
0x51: {  	[sflag:s19] =	ssyncset.done $0x0  }
0x52: {  	[sflag:s19] =	ssyncadd.s32 $0xFFFFF000  }
0x53: {  	_ =	swait.ge [sflag:s19], $0x1000  }
0x54: {  	[sflag:s19] =	ssyncset.done $0x0  }
0x55: {  	[sflag:s19] =	ssyncadd.s32 $0xFFFFF000  }
0x56: {  	_ =	swait.ge [sflag:s19], $0x1000  }
0x57: {  	[sflag:s19] =	ssyncset.done $0x0  }
0x58: {  	[sflag:s19] =	ssyncadd.s32 $0xFFFFF000  }
0x59: {  	_ =	swait.ge [sflag:s19], $0x1000  }
0x5a: {  	[sflag:s19] =	ssyncset.done $0x0  }
0x5b: {  	[sflag:s19] =	ssyncadd.s32 $0xFFFFF000  }
0x5c: {  	[hbm4b:s4+s3] =	stream.linear.scatter [tilespmem:s3], [sflag:$0x1], $0x10000, $0x38;
	[tilespmem:$0x10000] =	vst v63  }
0x5d: {  	s21 =	rddreg [dreg:$0x3]  }
0x5e: {  	[hbm4b:s21+s3] =	stream.linear.scatter [tilespmem:s3], [sflag:$0x1], $0x10000, $0x38;
	[tilespmem:$0x10000] =	vst v63  }
0x5f: {  	s22 =	rddreg [dreg:$0x4]  }
0x60: {  	[hbm4b:s22+s3] =	stream.linear.scatter [tilespmem:s3], [sflag:$0x1], $0x10000, $0x38;
	[tilespmem:$0x10000] =	vst v63  }
0x61: {  	s0 =	rddreg [dreg:$0x5]  }
0x62: {  	[hbm4b:s0+s3] =	stream.linear.scatter [tilespmem:s3], [sflag:$0x1], $0x10000, $0x38;
	[tilespmem:$0x10000] =	vst v63  }
0x63: {  	s5 =	rddreg [dreg:$0x6]  }
0x64: {  	[hbm4b:s5+s3] =	stream.linear.scatter [tilespmem:s3], [sflag:$0x1], $0x10000, $0x38;
	[tilespmem:$0x10000] =	vst v63  }
0x65: {  	s23 =	rddreg [dreg:$0x7]  }
0x66: {  	[hbm4b:s23+s3] =	stream.linear.scatter [tilespmem:s3], [sflag:$0x1], $0x10000, $0x38;
	[tilespmem:$0x10000] =	vst v63  }
0x67: {  	s24 =	rddreg [dreg:$0x8]  }
0x68: {  	[hbm4b:s24+s3] =	stream.linear.scatter [tilespmem:s3], [sflag:$0x1], $0x10000, $0x38;
	[tilespmem:$0x10000] =	vst v63  }
0x69: {  	s25 =	rddreg [dreg:$0x9]  }
0x6a: {  	[hbm4b:s25+s3] =	stream.linear.scatter [tilespmem:s3], [sflag:$0x1], $0x10000, $0x38;
	[tilespmem:$0x10000] =	vst v63  }
0x6b: {  	s26 =	rddreg [dreg:$0xa]  }
0x6c: {  	[hbm4b:s26+s3] =	stream.linear.scatter [tilespmem:s3], [sflag:$0x1], $0x10000, $0x38;
	[tilespmem:$0x10000] =	vst v63  }
0x6d: {  	s0 =	rddreg [dreg:$0xb]  }
0x6e: {  	[hbm4b:s0+s3] =	stream.linear.scatter [tilespmem:s3], [sflag:$0x1], $0x10000, $0x38;
	[tilespmem:$0x10000] =	vst v63  }
0x6f: {  	s5 =	rddreg [dreg:$0xc]  }
0x70: {  	[hbm4b:s5+s3] =	stream.linear.scatter [tilespmem:s3], [sflag:$0x1], $0x10000, $0x38;
	[tilespmem:$0x10000] =	vst v63  }
0x71: {  	s23 =	rddreg [dreg:$0xd]  }
0x72: {  	[hbm4b:s23+s3] =	stream.linear.scatter [tilespmem:s3], [sflag:$0x1], $0x10000, $0x38;
	[tilespmem:$0x10000] =	vst v63  }
0x73: {  	s24 =	rddreg [dreg:$0xe]  }
0x74: {  	[hbm4b:s24+s3] =	stream.linear.scatter [tilespmem:s3], [sflag:$0x1], $0x10000, $0x38;
	[tilespmem:$0x10000] =	vst v63  }
0x75: {  	s25 =	rddreg [dreg:$0xf]  }
0x76: {  	[hbm4b:s25+s3] =	stream.linear.scatter [tilespmem:s3], [sflag:$0x1], $0x10000, $0x38;
	[tilespmem:$0x10000] =	vst v63  }
0x77: {  	s26 =	rddreg [dreg:$0x10]  }
0x78: {  	[hbm4b:s26+s3] =	stream.linear.scatter [tilespmem:s3], [sflag:$0x1], $0x10000, $0x38;
	[tilespmem:$0x10000] =	vst v63  }
0x79: {  	s0 =	rddreg [dreg:$0x11]  }
0x7a: {  	[hbm4b:s0+s3] =	stream.linear.scatter [tilespmem:s3], [sflag:$0x1], $0x10000, $0x38;
	[tilespmem:$0x10000] =	vst v63  }
0x7b: {  	s5 =	rddreg [dreg:$0x12]  }
0x7c: {  	[hbm4b:s5+s3] =	stream.linear.scatter [tilespmem:s3], [sflag:$0x1], $0x10000, $0x38;
	[tilespmem:$0x10000] =	vst v63  }
0x7d: {  	s23 =	rddreg [dreg:$0x13]  }
0x7e: {  	[hbm4b:s23+s3] =	stream.linear.scatter [tilespmem:s3], [sflag:$0x1], $0x10000, $0x38;
	[tilespmem:$0x10000] =	vst v63  }
0x7f: {  	s24 =	rddreg [dreg:$0x14]  }
0x80: {  	[hbm4b:s24+s3] =	stream.linear.scatter [tilespmem:s3], [sflag:$0x1], $0x10000, $0x38;
	[tilespmem:$0x10000] =	vst v63  }
0x81: {  	s25 =	rddreg [dreg:$0x15]  }
0x82: {  	[hbm4b:s25+s3] =	stream.linear.scatter [tilespmem:s3], [sflag:$0x1], $0x10000, $0x38;
	[tilespmem:$0x10000] =	vst v63  }
0x83: {  	s26 =	rddreg [dreg:$0x16]  }
0x84: {  	[hbm4b:s26+s3] =	stream.linear.scatter [tilespmem:s3], [sflag:$0x1], $0x10000, $0x38;
	[tilespmem:$0x10000] =	vst v63  }
0x85: {  	s0 =	rddreg [dreg:$0x17]  }
0x86: {  	[hbm4b:s0+s3] =	stream.linear.scatter [tilespmem:s3], [sflag:$0x1], $0x10000, $0x38;
	[tilespmem:$0x10000] =	vst v63  }
0x87: {  	s21 =	sadd.s32 $0x2C000, s4  }
0x88: {  	[hbm4b:s21+s3] =	stream.linear.scatter [tilespmem:s3], [sflag:$0x1], $0x10000, $0x38;
	[tilespmem:$0x10000] =	vst v63  }
0x89: {  	s22 =	sadd.s32 $0x2E000, s4  }
0x8a: {  	[hbm4b:s22+s3] =	stream.linear.scatter [tilespmem:s3], [sflag:$0x1], $0x10000, $0x38;
	[tilespmem:$0x10000] =	vst v63  }
0x8b: {  	s23 =	sadd.s32 $0x30000, s4  }
0x8c: {  	[hbm4b:s23+s3] =	stream.linear.scatter [tilespmem:s3], [sflag:$0x1], $0x10000, $0x38;
	[tilespmem:$0x10000] =	vst v63  }
0x8d: {  	s24 =	sadd.s32 $0x32000, s4  }
0x8e: {  	[hbm4b:s24+s3] =	stream.linear.scatter [tilespmem:s3], [sflag:$0x1], $0x10000, $0x38;
	[tilespmem:$0x10000] =	vst v63  }
0x8f: {  	s25 =	sadd.s32 $0x34000, s4  }
0x90: {  	[hbm4b:s25+s3] =	stream.linear.scatter [tilespmem:s3], [sflag:$0x1], $0x10000, $0x38;
	[tilespmem:$0x10000] =	vst v63  }
0x91: {  	s26 =	sadd.s32 $0x36000, s4  }
0x92: {  	[hbm4b:s26+s3] =	stream.linear.scatter [tilespmem:s3], [sflag:$0x1], $0x10000, $0x38;
	[tilespmem:$0x10000] =	vst v63  }
0x93: {  	s28 =	sadd.s32 $0x38000, s4  }
0x94: {  	[hbm4b:s28+s3] =	stream.linear.scatter [tilespmem:s3], [sflag:$0x1], $0x10000, $0x38;
	[tilespmem:$0x10000] =	vst v63  }
0x95: {  	s29 =	sadd.s32 $0x3A000, s4  }
0x96: {  	[hbm4b:s29+s3] =	stream.linear.scatter [tilespmem:s3], [sflag:$0x1], $0x10000, $0x38;
	[tilespmem:$0x10000] =	vst v63  }
0x97: {  	s30 =	sadd.s32 $0x3C000, s4  }
0x98: {  	[hbm4b:s30+s3] =	stream.linear.scatter [tilespmem:s3], [sflag:$0x1], $0x10000, $0x38;
	[tilespmem:$0x10000] =	vst v63  }
0x99: {  	s31 =	sadd.s32 $0x3E000, s4  }
0x9a: {  	[hbm4b:s31+s3] =	stream.linear.scatter [tilespmem:s3], [sflag:$0x1], $0x10000, $0x38;
	[tilespmem:$0x10000] =	vst v63  }
0x9b: {  	_ =	swait.ge [sflag:s19], $0x10000  }
0x9c: {  	[sflag:s19] =	ssyncset.done $0x0  }
0x9d: {  	[sflag:s19] =	ssyncadd.s32 $0xFFFF0000  }
0x9e: {  	_ =	swait.ge [sflag:s19], $0x10000  }
0x9f: {  	[sflag:s19] =	ssyncset.done $0x0  }
0xa0: {  	[sflag:s19] =	ssyncadd.s32 $0xFFFF0000  }
0xa1: {  	_ =	swait.ge [sflag:s19], $0x10000  }
0xa2: {  	[sflag:s19] =	ssyncset.done $0x0  }
0xa3: {  	[sflag:s19] =	ssyncadd.s32 $0xFFFF0000  }
0xa4: {  	_ =	swait.ge [sflag:s19], $0x10000  }
0xa5: {  	[sflag:s19] =	ssyncset.done $0x0  }
0xa6: {  	[sflag:s19] =	ssyncadd.s32 $0xFFFF0000  }
0xa7: {  	_ =	swait.ge [sflag:s19], $0x10000  }
0xa8: {  	[sflag:s19] =	ssyncset.done $0x0  }
0xa9: {  	[sflag:s19] =	ssyncadd.s32 $0xFFFF0000  }
0xaa: {  	_ =	swait.ge [sflag:s19], $0x10000  }
0xab: {  	[sflag:s19] =	ssyncset.done $0x0  }
0xac: {  	[sflag:s19] =	ssyncadd.s32 $0xFFFF0000  }
0xad: {  	_ =	swait.ge [sflag:s19], $0x10000  }
0xae: {  	[sflag:s19] =	ssyncset.done $0x0  }
0xaf: {  	[sflag:s19] =	ssyncadd.s32 $0xFFFF0000  }
0xb0: {  	_ =	swait.ge [sflag:s19], $0x10000  }
0xb1: {  	[sflag:s19] =	ssyncset.done $0x0  }
0xb2: {  	[sflag:s19] =	ssyncadd.s32 $0xFFFF0000  }
0xb3: {  	_ =	swait.ge [sflag:s19], $0x10000  }
0xb4: {  	[sflag:s19] =	ssyncset.done $0x0  }
0xb5: {  	[sflag:s19] =	ssyncadd.s32 $0xFFFF0000  }
0xb6: {  	_ =	swait.ge [sflag:s19], $0x10000  }
0xb7: {  	[sflag:s19] =	ssyncset.done $0x0  }
0xb8: {  	[sflag:s19] =	ssyncadd.s32 $0xFFFF0000  }
0xb9: {  	_ =	swait.ge [sflag:s19], $0x10000  }
0xba: {  	[sflag:s19] =	ssyncset.done $0x0  }
0xbb: {  	[sflag:s19] =	ssyncadd.s32 $0xFFFF0000  }
0xbc: {  	_ =	swait.ge [sflag:s19], $0x10000  }
0xbd: {  	[sflag:s19] =	ssyncset.done $0x0  }
0xbe: {  	[sflag:s19] =	ssyncadd.s32 $0xFFFF0000  }
0xbf: {  	_ =	swait.ge [sflag:s19], $0x10000  }
0xc0: {  	[sflag:s19] =	ssyncset.done $0x0  }
0xc1: {  	[sflag:s19] =	ssyncadd.s32 $0xFFFF0000  }
0xc2: {  	_ =	swait.ge [sflag:s19], $0x10000  }
0xc3: {  	[sflag:s19] =	ssyncset.done $0x0  }
0xc4: {  	[sflag:s19] =	ssyncadd.s32 $0xFFFF0000  }
0xc5: {  	_ =	swait.ge [sflag:s19], $0x10000  }
0xc6: {  	[sflag:s19] =	ssyncset.done $0x0  }
0xc7: {  	[sflag:s19] =	ssyncadd.s32 $0xFFFF0000  }
0xc8: {  	_ =	swait.ge [sflag:s19], $0x10000  }
0xc9: {  	[sflag:s19] =	ssyncset.done $0x0  }
0xca: {  	[sflag:s19] =	ssyncadd.s32 $0xFFFF0000  }
0xcb: {  	_ =	swait.ge [sflag:s19], $0x10000  }
0xcc: {  	[sflag:s19] =	ssyncset.done $0x0  }
0xcd: {  	[sflag:s19] =	ssyncadd.s32 $0xFFFF0000  }
0xce: {  	_ =	swait.ge [sflag:s19], $0x10000  }
0xcf: {  	[sflag:s19] =	ssyncset.done $0x0  }
0xd0: {  	[sflag:s19] =	ssyncadd.s32 $0xFFFF0000  }
0xd1: {  	_ =	swait.ge [sflag:s19], $0x10000  }
0xd2: {  	[sflag:s19] =	ssyncset.done $0x0  }
0xd3: {  	[sflag:s19] =	ssyncadd.s32 $0xFFFF0000  }
0xd4: {  	_ =	swait.ge [sflag:s19], $0x10000  }
0xd5: {  	[sflag:s19] =	ssyncset.done $0x0  }
0xd6: {  	[sflag:s19] =	ssyncadd.s32 $0xFFFF0000  }
0xd7: {  	_ =	swait.ge [sflag:s19], $0x10000  }
0xd8: {  	[sflag:s19] =	ssyncset.done $0x0  }
0xd9: {  	[sflag:s19] =	ssyncadd.s32 $0xFFFF0000  }
0xda: {  	_ =	swait.ge [sflag:s19], $0x10000  }
0xdb: {  	[sflag:s19] =	ssyncset.done $0x0  }
0xdc: {  	[sflag:s19] =	ssyncadd.s32 $0xFFFF0000  }
0xdd: {  	_ =	swait.ge [sflag:s19], $0x10000  }
0xde: {  	[sflag:s19] =	ssyncset.done $0x0  }
0xdf: {  	[sflag:s19] =	ssyncadd.s32 $0xFFFF0000  }
0xe0: {  	_ =	swait.ge [sflag:s19], $0x10000  }
0xe1: {  	[sflag:s19] =	ssyncset.done $0x0  }
0xe2: {  	[sflag:s19] =	ssyncadd.s32 $0xFFFF0000  }
0xe3: {  	_ =	swait.ge [sflag:s19], $0x10000  }
0xe4: {  	[sflag:s19] =	ssyncset.done $0x0  }
0xe5: {  	[sflag:s19] =	ssyncadd.s32 $0xFFFF0000  }
0xe6: {  	_ =	swait.ge [sflag:s19], $0x10000  }
0xe7: {  	[sflag:s19] =	ssyncset.done $0x0  }
0xe8: {  	[sflag:s19] =	ssyncadd.s32 $0xFFFF0000  }
0xe9: {  	_ =	swait.ge [sflag:s19], $0x10000  }
0xea: {  	[sflag:s19] =	ssyncset.done $0x0  }
0xeb: {  	[sflag:s19] =	ssyncadd.s32 $0xFFFF0000  }
0xec: {  	_ =	swait.ge [sflag:s19], $0x10000  }
0xed: {  	[sflag:s19] =	ssyncset.done $0x0  }
0xee: {  	[sflag:s19] =	ssyncadd.s32 $0xFFFF0000  }
0xef: {  	_ =	swait.ge [sflag:s19], $0x10000  }
0xf0: {  	s1 =	ssub.s32 $0x2, s1;
	[sflag:s19] =	ssyncset.done $0x0  }
0xf1: {  	s5 =	sshrl.u32 s1, $0x1;
	[sflag:s19] =	ssyncadd.s32 $0xFFFF0000  }
0xf2: {  	s0 =	ssub.s32 s1, s5;
	_ =	swait.ge [sflag:s19], $0x10000  }
0xf3: {  	s0 =	smax.u32 s0, $0x1;
	[sflag:s19] =	ssyncset.done $0x0  }
0xf4: {  	p0 =	sne.s32 s0, $0x1;
	[sflag:s19] =	ssyncadd.s32 $0xFFFF0000  }
.Ltmp0:
0xf5: {  	_ =	swait.ge [sflag:s19], $0x10000;
	(pc) =	sbr.rel @!p0 .LBB2_2-.Ltmp0, $4  }
0xf6: {  	[sflag:s19] =	ssyncset.done $0x0  }
0xf7: {  	[sflag:s19] =	ssyncadd.s32 $0xFFFF0000  }
0xf8: {  	_ =	swait.ge [sflag:s19], $0x10000  }
0xf9: {  	s1 =	sadd.s32 $0xFFFFFFFF, s0;
	[sflag:s19] =	ssyncset.done $0x0  }
.LBB2_1:
0xfa: {  	[sflag:s19] =	ssyncadd.s32 $0xFFFF0000  }
0xfb: {  	[tilespmem:s3], [sflag:$0x1] =	stream.linear.gather [hbm4b:s2+s3], $0x1000, $0x38;
	[tilespmem:$0x10000] =	vst v63  }
0xfc: {  	s0 =	simm.s32 $0x1000  }
0xfd: {  	[tilespmem:s0], [sflag:$0x1] =	stream.linear.gather [hbm4b:s2+s3], $0x1000, $0x38;
	[tilespmem:$0x10000] =	vst v63  }
0xfe: {  	_ = 	snop  }
0xff: {  	[tilespmem:s6], [sflag:$0x1] =	stream.linear.gather [hbm4b:s2+s3], $0x1000, $0x38;
	[tilespmem:$0x10000] =	vst v63  }
0x100: {  	_ = 	snop  }
0x101: {  	[tilespmem:s7], [sflag:$0x1] =	stream.linear.gather [hbm4b:s2+s3], $0x1000, $0x38;
	[tilespmem:$0x10000] =	vst v63  }
0x102: {  	_ = 	snop  }
0x103: {  	[tilespmem:s8], [sflag:$0x1] =	stream.linear.gather [hbm4b:s2+s3], $0x1000, $0x38;
	[tilespmem:$0x10000] =	vst v63  }
0x104: {  	_ = 	snop  }
0x105: {  	[tilespmem:s9], [sflag:$0x1] =	stream.linear.gather [hbm4b:s2+s3], $0x1000, $0x38;
	[tilespmem:$0x10000] =	vst v63  }
0x106: {  	_ = 	snop  }
0x107: {  	[tilespmem:s10], [sflag:$0x1] =	stream.linear.gather [hbm4b:s2+s3], $0x1000, $0x38;
	[tilespmem:$0x10000] =	vst v63  }
0x108: {  	_ = 	snop  }
0x109: {  	[tilespmem:s11], [sflag:$0x1] =	stream.linear.gather [hbm4b:s2+s3], $0x1000, $0x38;
	[tilespmem:$0x10000] =	vst v63  }
0x10a: {  	_ = 	snop  }
0x10b: {  	[tilespmem:s12], [sflag:$0x1] =	stream.linear.gather [hbm4b:s2+s3], $0x1000, $0x38;
	[tilespmem:$0x10000] =	vst v63  }
0x10c: {  	_ = 	snop  }
0x10d: {  	[tilespmem:s13], [sflag:$0x1] =	stream.linear.gather [hbm4b:s2+s3], $0x1000, $0x38;
	[tilespmem:$0x10000] =	vst v63  }
0x10e: {  	_ = 	snop  }
0x10f: {  	[tilespmem:s14], [sflag:$0x1] =	stream.linear.gather [hbm4b:s2+s3], $0x1000, $0x38;
	[tilespmem:$0x10000] =	vst v63  }
0x110: {  	_ = 	snop  }
0x111: {  	[tilespmem:s15], [sflag:$0x1] =	stream.linear.gather [hbm4b:s2+s3], $0x1000, $0x38;
	[tilespmem:$0x10000] =	vst v63  }
0x112: {  	_ = 	snop  }
0x113: {  	[tilespmem:s16], [sflag:$0x1] =	stream.linear.gather [hbm4b:s2+s3], $0x1000, $0x38;
	[tilespmem:$0x10000] =	vst v63  }
0x114: {  	_ = 	snop  }
0x115: {  	[tilespmem:s17], [sflag:$0x1] =	stream.linear.gather [hbm4b:s2+s3], $0x1000, $0x38;
	[tilespmem:$0x10000] =	vst v63  }
0x116: {  	_ = 	snop  }
0x117: {  	[tilespmem:s18], [sflag:$0x1] =	stream.linear.gather [hbm4b:s2+s3], $0x1000, $0x38;
	[tilespmem:$0x10000] =	vst v63  }
0x118: {  	_ = 	snop  }
0x119: {  	[tilespmem:s20], [sflag:$0x1] =	stream.linear.gather [hbm4b:s2+s3], $0x1000, $0x38;
	[tilespmem:$0x10000] =	vst v63  }
0x11a: {  	_ =	swait.ge [sflag:s19], $0x1000  }
0x11b: {  	[sflag:s19] =	ssyncset.done $0x0  }
0x11c: {  	[sflag:s19] =	ssyncadd.s32 $0xFFFFF000  }
0x11d: {  	_ =	swait.ge [sflag:s19], $0x1000  }
0x11e: {  	[sflag:s19] =	ssyncset.done $0x0  }
0x11f: {  	[sflag:s19] =	ssyncadd.s32 $0xFFFFF000  }
0x120: {  	_ =	swait.ge [sflag:s19], $0x1000  }
0x121: {  	[sflag:s19] =	ssyncset.done $0x0  }
0x122: {  	[sflag:s19] =	ssyncadd.s32 $0xFFFFF000  }
0x123: {  	_ =	swait.ge [sflag:s19], $0x1000  }
0x124: {  	[sflag:s19] =	ssyncset.done $0x0  }
0x125: {  	[sflag:s19] =	ssyncadd.s32 $0xFFFFF000  }
0x126: {  	_ =	swait.ge [sflag:s19], $0x1000  }
0x127: {  	[sflag:s19] =	ssyncset.done $0x0  }
0x128: {  	[sflag:s19] =	ssyncadd.s32 $0xFFFFF000  }
0x129: {  	_ =	swait.ge [sflag:s19], $0x1000  }
0x12a: {  	[sflag:s19] =	ssyncset.done $0x0  }
0x12b: {  	[sflag:s19] =	ssyncadd.s32 $0xFFFFF000  }
0x12c: {  	_ =	swait.ge [sflag:s19], $0x1000  }
0x12d: {  	[sflag:s19] =	ssyncset.done $0x0  }
0x12e: {  	[sflag:s19] =	ssyncadd.s32 $0xFFFFF000  }
0x12f: {  	_ =	swait.ge [sflag:s19], $0x1000  }
0x130: {  	[sflag:s19] =	ssyncset.done $0x0  }
0x131: {  	[sflag:s19] =	ssyncadd.s32 $0xFFFFF000  }
0x132: {  	_ =	swait.ge [sflag:s19], $0x1000  }
0x133: {  	[sflag:s19] =	ssyncset.done $0x0  }
0x134: {  	[sflag:s19] =	ssyncadd.s32 $0xFFFFF000  }
0x135: {  	_ =	swait.ge [sflag:s19], $0x1000  }
0x136: {  	[sflag:s19] =	ssyncset.done $0x0  }
0x137: {  	[sflag:s19] =	ssyncadd.s32 $0xFFFFF000  }
0x138: {  	_ =	swait.ge [sflag:s19], $0x1000  }
0x139: {  	[sflag:s19] =	ssyncset.done $0x0  }
0x13a: {  	[sflag:s19] =	ssyncadd.s32 $0xFFFFF000  }
0x13b: {  	_ =	swait.ge [sflag:s19], $0x1000  }
0x13c: {  	[sflag:s19] =	ssyncset.done $0x0  }
0x13d: {  	[sflag:s19] =	ssyncadd.s32 $0xFFFFF000  }
0x13e: {  	_ =	swait.ge [sflag:s19], $0x1000  }
0x13f: {  	[sflag:s19] =	ssyncset.done $0x0  }
0x140: {  	[sflag:s19] =	ssyncadd.s32 $0xFFFFF000  }
0x141: {  	_ =	swait.ge [sflag:s19], $0x1000  }
0x142: {  	[sflag:s19] =	ssyncset.done $0x0  }
0x143: {  	[sflag:s19] =	ssyncadd.s32 $0xFFFFF000  }
0x144: {  	_ =	swait.ge [sflag:s19], $0x1000  }
0x145: {  	[sflag:s19] =	ssyncset.done $0x0  }
0x146: {  	[sflag:s19] =	ssyncadd.s32 $0xFFFFF000  }
0x147: {  	_ =	swait.ge [sflag:s19], $0x1000  }
0x148: {  	[sflag:s19] =	ssyncset.done $0x0  }
0x149: {  	[sflag:s19] =	ssyncadd.s32 $0xFFFFF000  }
0x14a: {  	[hbm4b:s4+s3] =	stream.linear.scatter [tilespmem:s3], [sflag:$0x1], $0x10000, $0x38;
	[tilespmem:$0x10000] =	vst v63  }
0x14b: {  	s0 =	rddreg [dreg:$0x3]  }
0x14c: {  	[hbm4b:s0+s3] =	stream.linear.scatter [tilespmem:s3], [sflag:$0x1], $0x10000, $0x38;
	[tilespmem:$0x10000] =	vst v63  }
0x14d: {  	s5 =	rddreg [dreg:$0x4]  }
0x14e: {  	[hbm4b:s5+s3] =	stream.linear.scatter [tilespmem:s3], [sflag:$0x1], $0x10000, $0x38;
	[tilespmem:$0x10000] =	vst v63  }
0x14f: {  	s0 =	rddreg [dreg:$0x5]  }
0x150: {  	[hbm4b:s0+s3] =	stream.linear.scatter [tilespmem:s3], [sflag:$0x1], $0x10000, $0x38;
	[tilespmem:$0x10000] =	vst v63  }
0x151: {  	s5 =	rddreg [dreg:$0x6]  }
0x152: {  	[hbm4b:s5+s3] =	stream.linear.scatter [tilespmem:s3], [sflag:$0x1], $0x10000, $0x38;
	[tilespmem:$0x10000] =	vst v63  }
0x153: {  	s0 =	rddreg [dreg:$0x7]  }
0x154: {  	[hbm4b:s0+s3] =	stream.linear.scatter [tilespmem:s3], [sflag:$0x1], $0x10000, $0x38;
	[tilespmem:$0x10000] =	vst v63  }
0x155: {  	s5 =	rddreg [dreg:$0x8]  }
0x156: {  	[hbm4b:s5+s3] =	stream.linear.scatter [tilespmem:s3], [sflag:$0x1], $0x10000, $0x38;
	[tilespmem:$0x10000] =	vst v63  }
0x157: {  	s0 =	rddreg [dreg:$0x9]  }
0x158: {  	[hbm4b:s0+s3] =	stream.linear.scatter [tilespmem:s3], [sflag:$0x1], $0x10000, $0x38;
	[tilespmem:$0x10000] =	vst v63  }
0x159: {  	s5 =	rddreg [dreg:$0xa]  }
0x15a: {  	[hbm4b:s5+s3] =	stream.linear.scatter [tilespmem:s3], [sflag:$0x1], $0x10000, $0x38;
	[tilespmem:$0x10000] =	vst v63  }
0x15b: {  	s0 =	rddreg [dreg:$0xb]  }
0x15c: {  	[hbm4b:s0+s3] =	stream.linear.scatter [tilespmem:s3], [sflag:$0x1], $0x10000, $0x38;
	[tilespmem:$0x10000] =	vst v63  }
0x15d: {  	s5 =	rddreg [dreg:$0xc]  }
0x15e: {  	[hbm4b:s5+s3] =	stream.linear.scatter [tilespmem:s3], [sflag:$0x1], $0x10000, $0x38;
	[tilespmem:$0x10000] =	vst v63  }
0x15f: {  	s0 =	rddreg [dreg:$0xd]  }
0x160: {  	[hbm4b:s0+s3] =	stream.linear.scatter [tilespmem:s3], [sflag:$0x1], $0x10000, $0x38;
	[tilespmem:$0x10000] =	vst v63  }
0x161: {  	s5 =	rddreg [dreg:$0xe]  }
0x162: {  	[hbm4b:s5+s3] =	stream.linear.scatter [tilespmem:s3], [sflag:$0x1], $0x10000, $0x38;
	[tilespmem:$0x10000] =	vst v63  }
0x163: {  	s0 =	rddreg [dreg:$0xf]  }
0x164: {  	[hbm4b:s0+s3] =	stream.linear.scatter [tilespmem:s3], [sflag:$0x1], $0x10000, $0x38;
	[tilespmem:$0x10000] =	vst v63  }
0x165: {  	s5 =	rddreg [dreg:$0x10]  }
0x166: {  	[hbm4b:s5+s3] =	stream.linear.scatter [tilespmem:s3], [sflag:$0x1], $0x10000, $0x38;
	[tilespmem:$0x10000] =	vst v63  }
0x167: {  	s0 =	rddreg [dreg:$0x11]  }
0x168: {  	[hbm4b:s0+s3] =	stream.linear.scatter [tilespmem:s3], [sflag:$0x1], $0x10000, $0x38;
	[tilespmem:$0x10000] =	vst v63  }
0x169: {  	s5 =	rddreg [dreg:$0x12]  }
0x16a: {  	[hbm4b:s5+s3] =	stream.linear.scatter [tilespmem:s3], [sflag:$0x1], $0x10000, $0x38;
	[tilespmem:$0x10000] =	vst v63  }
0x16b: {  	s0 =	rddreg [dreg:$0x13]  }
0x16c: {  	[hbm4b:s0+s3] =	stream.linear.scatter [tilespmem:s3], [sflag:$0x1], $0x10000, $0x38;
	[tilespmem:$0x10000] =	vst v63  }
0x16d: {  	s5 =	rddreg [dreg:$0x14]  }
0x16e: {  	[hbm4b:s5+s3] =	stream.linear.scatter [tilespmem:s3], [sflag:$0x1], $0x10000, $0x38;
	[tilespmem:$0x10000] =	vst v63  }
0x16f: {  	s0 =	rddreg [dreg:$0x15]  }
0x170: {  	[hbm4b:s0+s3] =	stream.linear.scatter [tilespmem:s3], [sflag:$0x1], $0x10000, $0x38;
	[tilespmem:$0x10000] =	vst v63  }
0x171: {  	s5 =	rddreg [dreg:$0x16]  }
0x172: {  	[hbm4b:s5+s3] =	stream.linear.scatter [tilespmem:s3], [sflag:$0x1], $0x10000, $0x38;
	[tilespmem:$0x10000] =	vst v63  }
0x173: {  	s0 =	rddreg [dreg:$0x17]  }
0x174: {  	[hbm4b:s0+s3] =	stream.linear.scatter [tilespmem:s3], [sflag:$0x1], $0x10000, $0x38;
	[tilespmem:$0x10000] =	vst v63  }
0x175: {  	_ = 	snop  }
0x176: {  	[hbm4b:s21+s3] =	stream.linear.scatter [tilespmem:s3], [sflag:$0x1], $0x10000, $0x38;
	[tilespmem:$0x10000] =	vst v63  }
0x177: {  	_ = 	snop  }
0x178: {  	[hbm4b:s22+s3] =	stream.linear.scatter [tilespmem:s3], [sflag:$0x1], $0x10000, $0x38;
	[tilespmem:$0x10000] =	vst v63  }
0x179: {  	_ = 	snop  }
0x17a: {  	[hbm4b:s23+s3] =	stream.linear.scatter [tilespmem:s3], [sflag:$0x1], $0x10000, $0x38;
	[tilespmem:$0x10000] =	vst v63  }
0x17b: {  	_ = 	snop  }
0x17c: {  	[hbm4b:s24+s3] =	stream.linear.scatter [tilespmem:s3], [sflag:$0x1], $0x10000, $0x38;
	[tilespmem:$0x10000] =	vst v63  }
0x17d: {  	_ = 	snop  }
0x17e: {  	[hbm4b:s25+s3] =	stream.linear.scatter [tilespmem:s3], [sflag:$0x1], $0x10000, $0x38;
	[tilespmem:$0x10000] =	vst v63  }
0x17f: {  	_ = 	snop  }
0x180: {  	[hbm4b:s26+s3] =	stream.linear.scatter [tilespmem:s3], [sflag:$0x1], $0x10000, $0x38;
	[tilespmem:$0x10000] =	vst v63  }
0x181: {  	_ = 	snop  }
0x182: {  	[hbm4b:s28+s3] =	stream.linear.scatter [tilespmem:s3], [sflag:$0x1], $0x10000, $0x38;
	[tilespmem:$0x10000] =	vst v63  }
0x183: {  	_ = 	snop  }
0x184: {  	[hbm4b:s29+s3] =	stream.linear.scatter [tilespmem:s3], [sflag:$0x1], $0x10000, $0x38;
	[tilespmem:$0x10000] =	vst v63  }
0x185: {  	_ = 	snop  }
0x186: {  	[hbm4b:s30+s3] =	stream.linear.scatter [tilespmem:s3], [sflag:$0x1], $0x10000, $0x38;
	[tilespmem:$0x10000] =	vst v63  }
0x187: {  	_ = 	snop  }
0x188: {  	[hbm4b:s31+s3] =	stream.linear.scatter [tilespmem:s3], [sflag:$0x1], $0x10000, $0x38;
	[tilespmem:$0x10000] =	vst v63  }
0x189: {  	_ =	swait.ge [sflag:s19], $0x10000  }
0x18a: {  	[sflag:s19] =	ssyncset.done $0x0  }
0x18b: {  	[sflag:s19] =	ssyncadd.s32 $0xFFFF0000  }
0x18c: {  	_ =	swait.ge [sflag:s19], $0x10000  }
0x18d: {  	[sflag:s19] =	ssyncset.done $0x0  }
0x18e: {  	[sflag:s19] =	ssyncadd.s32 $0xFFFF0000  }
0x18f: {  	_ =	swait.ge [sflag:s19], $0x10000  }
0x190: {  	[sflag:s19] =	ssyncset.done $0x0  }
0x191: {  	[sflag:s19] =	ssyncadd.s32 $0xFFFF0000  }
0x192: {  	_ =	swait.ge [sflag:s19], $0x10000  }
0x193: {  	[sflag:s19] =	ssyncset.done $0x0  }
0x194: {  	[sflag:s19] =	ssyncadd.s32 $0xFFFF0000  }
0x195: {  	_ =	swait.ge [sflag:s19], $0x10000  }
0x196: {  	[sflag:s19] =	ssyncset.done $0x0  }
0x197: {  	[sflag:s19] =	ssyncadd.s32 $0xFFFF0000  }
0x198: {  	_ =	swait.ge [sflag:s19], $0x10000  }
0x199: {  	[sflag:s19] =	ssyncset.done $0x0  }
0x19a: {  	[sflag:s19] =	ssyncadd.s32 $0xFFFF0000  }
0x19b: {  	_ =	swait.ge [sflag:s19], $0x10000  }
0x19c: {  	[sflag:s19] =	ssyncset.done $0x0  }
0x19d: {  	[sflag:s19] =	ssyncadd.s32 $0xFFFF0000  }
0x19e: {  	_ =	swait.ge [sflag:s19], $0x10000  }
0x19f: {  	[sflag:s19] =	ssyncset.done $0x0  }
0x1a0: {  	[sflag:s19] =	ssyncadd.s32 $0xFFFF0000  }
0x1a1: {  	_ =	swait.ge [sflag:s19], $0x10000  }
0x1a2: {  	[sflag:s19] =	ssyncset.done $0x0  }
0x1a3: {  	[sflag:s19] =	ssyncadd.s32 $0xFFFF0000  }
0x1a4: {  	_ =	swait.ge [sflag:s19], $0x10000  }
0x1a5: {  	[sflag:s19] =	ssyncset.done $0x0  }
0x1a6: {  	[sflag:s19] =	ssyncadd.s32 $0xFFFF0000  }
0x1a7: {  	_ =	swait.ge [sflag:s19], $0x10000  }
0x1a8: {  	[sflag:s19] =	ssyncset.done $0x0  }
0x1a9: {  	[sflag:s19] =	ssyncadd.s32 $0xFFFF0000  }
0x1aa: {  	_ =	swait.ge [sflag:s19], $0x10000  }
0x1ab: {  	[sflag:s19] =	ssyncset.done $0x0  }
0x1ac: {  	[sflag:s19] =	ssyncadd.s32 $0xFFFF0000  }
0x1ad: {  	_ =	swait.ge [sflag:s19], $0x10000  }
0x1ae: {  	[sflag:s19] =	ssyncset.done $0x0  }
0x1af: {  	[sflag:s19] =	ssyncadd.s32 $0xFFFF0000  }
0x1b0: {  	_ =	swait.ge [sflag:s19], $0x10000  }
0x1b1: {  	[sflag:s19] =	ssyncset.done $0x0  }
0x1b2: {  	[sflag:s19] =	ssyncadd.s32 $0xFFFF0000  }
0x1b3: {  	_ =	swait.ge [sflag:s19], $0x10000  }
0x1b4: {  	[sflag:s19] =	ssyncset.done $0x0  }
0x1b5: {  	[sflag:s19] =	ssyncadd.s32 $0xFFFF0000  }
0x1b6: {  	_ =	swait.ge [sflag:s19], $0x10000  }
0x1b7: {  	[sflag:s19] =	ssyncset.done $0x0  }
0x1b8: {  	[sflag:s19] =	ssyncadd.s32 $0xFFFF0000  }
0x1b9: {  	_ =	swait.ge [sflag:s19], $0x10000  }
0x1ba: {  	[sflag:s19] =	ssyncset.done $0x0  }
0x1bb: {  	[sflag:s19] =	ssyncadd.s32 $0xFFFF0000  }
0x1bc: {  	_ =	swait.ge [sflag:s19], $0x10000  }
0x1bd: {  	[sflag:s19] =	ssyncset.done $0x0  }
0x1be: {  	[sflag:s19] =	ssyncadd.s32 $0xFFFF0000  }
0x1bf: {  	_ =	swait.ge [sflag:s19], $0x10000  }
0x1c0: {  	[sflag:s19] =	ssyncset.done $0x0  }
0x1c1: {  	[sflag:s19] =	ssyncadd.s32 $0xFFFF0000  }
0x1c2: {  	_ =	swait.ge [sflag:s19], $0x10000  }
0x1c3: {  	[sflag:s19] =	ssyncset.done $0x0  }
0x1c4: {  	[sflag:s19] =	ssyncadd.s32 $0xFFFF0000  }
0x1c5: {  	_ =	swait.ge [sflag:s19], $0x10000  }
0x1c6: {  	[sflag:s19] =	ssyncset.done $0x0  }
0x1c7: {  	[sflag:s19] =	ssyncadd.s32 $0xFFFF0000  }
0x1c8: {  	_ =	swait.ge [sflag:s19], $0x10000  }
0x1c9: {  	[sflag:s19] =	ssyncset.done $0x0  }
0x1ca: {  	[sflag:s19] =	ssyncadd.s32 $0xFFFF0000  }
0x1cb: {  	_ =	swait.ge [sflag:s19], $0x10000  }
0x1cc: {  	[sflag:s19] =	ssyncset.done $0x0  }
0x1cd: {  	[sflag:s19] =	ssyncadd.s32 $0xFFFF0000  }
0x1ce: {  	_ =	swait.ge [sflag:s19], $0x10000  }
0x1cf: {  	[sflag:s19] =	ssyncset.done $0x0  }
0x1d0: {  	[sflag:s19] =	ssyncadd.s32 $0xFFFF0000  }
0x1d1: {  	_ =	swait.ge [sflag:s19], $0x10000  }
0x1d2: {  	[sflag:s19] =	ssyncset.done $0x0  }
0x1d3: {  	[sflag:s19] =	ssyncadd.s32 $0xFFFF0000  }
0x1d4: {  	_ =	swait.ge [sflag:s19], $0x10000  }
0x1d5: {  	[sflag:s19] =	ssyncset.done $0x0  }
0x1d6: {  	[sflag:s19] =	ssyncadd.s32 $0xFFFF0000  }
0x1d7: {  	_ =	swait.ge [sflag:s19], $0x10000  }
0x1d8: {  	[sflag:s19] =	ssyncset.done $0x0  }
0x1d9: {  	[sflag:s19] =	ssyncadd.s32 $0xFFFF0000  }
0x1da: {  	_ =	swait.ge [sflag:s19], $0x10000  }
0x1db: {  	[sflag:s19] =	ssyncset.done $0x0  }
0x1dc: {  	[sflag:s19] =	ssyncadd.s32 $0xFFFF0000  }
0x1dd: {  	_ =	swait.ge [sflag:s19], $0x10000  }
0x1de: {  	[sflag:s19] =	ssyncset.done $0x0  }
0x1df: {  	[sflag:s19] =	ssyncadd.s32 $0xFFFF0000  }
0x1e0: {  	_ =	swait.ge [sflag:s19], $0x10000  }
0x1e1: {  	[sflag:s19] =	ssyncset.done $0x0  }
0x1e2: {  	p0 =	sne.s32 s1, $0x1;
	[sflag:s19] =	ssyncadd.s32 $0xFFFF0000  }
.Ltmp1:
0x1e3: {  	_ =	swait.ge [sflag:s19], $0x10000;
	(pc) =	sbr.rel @p0 .LBB2_1-.Ltmp1, $4  }
0x1e4: {  	[sflag:s19] =	ssyncset.done $0x0  }
0x1e5: {  	[sflag:s19] =	ssyncadd.s32 $0xFFFF0000  }
0x1e6: {  	_ =	swait.ge [sflag:s19], $0x10000  }
0x1e7: {  	s1 =	sadd.s32 $0xFFFFFFFF, s1;
	[sflag:s19] =	ssyncset.done $0x0  }
.LBB2_2:
0x1e8: {  	[sflag:s19] =	ssyncadd.s32 $0xFFFF0000  }
0x1e9: {  	_ =	sfence.sel $0x180000  }
0x1ea: {  	[bflag:$0x0] =	sbarrier.arrive $0xFFFF  }
0x1eb: {  	_ =	strace $0x90000047  }
0x1ec: {  	s0 =	stileid.u32;
	[bflag:$0x2] =	sbarrier.arrive $0xFFFF  }
0x1ed: {  	p0 =	sne.s32 s0, $0x0;
	s0 =	rddreg [dreg:$0x2]  }
0x1ee: {  	s0 =	sadd.s32 @!p0 $0x100000, s0  }
0x1ef: {  	[sflag:s0] =	ssyncadd.tile.s32 @!p0 $0x1;
	_ =	shalt  }
.Lfunc_end2:
_tile_overlayer_lowered:
.L_overlay_start_2:
0x1f0: {  	(tag) =	ssettag $0x2  }
0x1f1: {  	s0 =	rddreg [dreg:$0x0];
	s2 =	stileid.u32  }
0x1f2: {  	s1 =	rddreg [dreg:$0x1];
	p0 =	sne.s32 s2, $0x0  }
0x1f3: {  	s3 =	rddreg [dreg:$0x2];
	[bflag:$0x3] =	sbarrier.arrive $0xFFFF;
	s2 =	simm.s32 @!p0 $0x1C02  }
0x1f4: {  	[timem:s3], [sflag:s2] =	dma.local @!p0 [hbm:s0], s1  }
0x1f5: {  	s0 =	simm.s32 @!p0 $0x2  }
0x1f6: {  	_ =	swait.ge @!p0 [sflag:s0], s1  }
0x1f7: {  	s1 =	ssub.s32 @!p0 $0x0, s1;
	[sflag:s0] =	ssyncset.done @!p0 $0x0  }
0x1f8: {  	[sflag:s0] =	ssyncadd.s32 @!p0 s1  }
0x1f9: {  	[bflag:$0x3] =	sbarrier.arrive $0xFFFF  }
0x1fa: {  	_ =	shalt  }

</sc_bundles>
